<compile_context>
chip_gen: v7x
topology: tpu7x:2x2x1
jax: 0.10.2.dev20260603
libtpu: 0.0.44.dev20260713+nightly
codegen_flags: <defaults>
</compile_context>

<pallas_src>
import functools

import jax
import jax.numpy as jnp
from jax import lax
from jax.experimental import pallas as pl
from jax.experimental.pallas import tpu as pltpu
from jax.experimental.pallas import tpu_sc as plsc

_B = 4096
_D = 128
_NB = 2
_NW = 32
_CR = 256
_STRIDE = 3072
_NCH = 12
_MBLK = 24
_BR = 8192
_PBLK = 16


def _sc_body(te_in, ti_in, tip_in, idx_in, z_in, step_in,
             te_out, ti_out, tip_out,
             shared, ibuf, ibuf2, svec, rsem, wsem, ssem, ssem2):
    sid = lax.axis_index("s")
    wid = sid * 2 + lax.axis_index("c")

    pltpu.sync_copy(step_in, svec)
    s = jnp.max(svec[...])
    ps = lax.rem(s, jnp.int32(16))

    nb = 3
    bufs = tuple(shared.at[sid, j] for j in range(nb))

    def ti_rd(dst):
        @pl.when(wid != s)
        def _():
            pltpu.make_async_copy(
                ti_in.at[pl.ds(wid * _B, _B)], dst, ssem).start()

        @pl.when(wid == s)
        def _():
            pltpu.make_async_copy(idx_in, dst, ssem).start()

    def tip_rd(dst):
        @pl.when(wid != ps)
        def _():
            pltpu.make_async_copy(
                tip_in.at[pl.ds(wid * _B, _B)], dst, ssem2).start()

        @pl.when(wid == ps)
        def _():
            pltpu.make_async_copy(idx_in, dst, ssem2).start()

    @pl.when(wid < _MBLK)
    def _():
        ti_rd(ibuf)

    @pl.when(wid < 16)
    def _():
        tip_rd(ibuf2)
    base = wid * _STRIDE
    s16 = s * (_B // _CR)

    def rd_start(c):
        g = wid * _NCH + c

        @pl.when(jnp.logical_or(g < s16, g >= s16 + (_B // _CR)))
        def _():
            pltpu.make_async_copy(
                te_in.at[pl.ds(base + c * _CR, _CR), :], bufs[c % nb], rsem
            ).start()

        @pl.when(jnp.logical_and(g >= s16, g < s16 + (_B // _CR)))
        def _():
            pltpu.make_async_copy(
                z_in.at[pl.ds((g - s16) * _CR, _CR), :], bufs[c % nb], rsem
            ).start()

    def rd_wait(c):
        pltpu.make_async_copy(
            z_in.at[pl.ds(0, _CR), :], bufs[c % nb], rsem).wait()

    def wr(c):
        return pltpu.make_async_copy(
            bufs[c % nb], te_out.at[pl.ds(base + c * _CR, _CR), :], wsem)

    rd_start(0)
    rd_start(1)
    for c in range(_NCH):
        if c >= 2:
            wr(c - 2).wait()
        if c + 1 < _NCH and c >= 1:
            rd_start(c + 1)
        rd_wait(c)
        wr(c).start()
    wr(_NCH - 2).wait()
    wr(_NCH - 1).wait()

    @pl.when(wid < _MBLK)
    def _():
        pltpu.make_async_copy(idx_in, ibuf, ssem).wait()
        pltpu.make_async_copy(
            ibuf, ti_out.at[pl.ds(wid * _B, _B)], ssem).start()

    @pl.when(wid < 16)
    def _():
        pltpu.make_async_copy(idx_in, ibuf2, ssem2).wait()
        pltpu.make_async_copy(
            ibuf2, tip_out.at[pl.ds(wid * _B, _B)], ssem2).start()

    @pl.when(wid < _MBLK)
    def _():
        pltpu.make_async_copy(
            idx_in, ti_out.at[pl.ds(wid * _B, _B)], ssem).wait()

    @pl.when(wid < 16)
    def _():
        pltpu.make_async_copy(
            idx_in, tip_out.at[pl.ds(wid * _B, _B)], ssem2).wait()


def _tc_body(step_ref, tep_in, emb_in, tep_out):
    i = pl.program_id(0)
    s = step_ref[0]
    ps = lax.rem(s, jnp.int32(16))
    j = lax.rem(i, _PBLK // _NB)
    pblk, poff = ps // 2, lax.rem(ps, 2) * _B

    tep_out[...] = tep_in[...]

    @pl.when(j == pblk)
    def _():
        tep_out[pl.ds(poff, _B), :] = emb_in[0]


def _tc_update_pos(train_embeddings_pos, embeddings, step):
    P = train_embeddings_pos.shape[1]
    tep_flat = train_embeddings_pos.reshape(_NB * P, _D)

    out = pl.pallas_call(
        _tc_body,
        grid_spec=pltpu.PrefetchScalarGridSpec(
            num_scalar_prefetch=1,
            grid=(_PBLK,),
            in_specs=[
                pl.BlockSpec((_BR, _D), lambda i, s: (i, 0)),
                pl.BlockSpec((1, _B, _D),
                             lambda i, s: (i // (_PBLK // _NB), 0, 0)),
            ],
            out_specs=pl.BlockSpec((_BR, _D), lambda i, s: (i, 0)),
        ),
        out_shape=jax.ShapeDtypeStruct((_NB * P, _D), jnp.float32),
        compiler_params=pltpu.CompilerParams(
            dimension_semantics=("arbitrary",),
        ),
    )(step, tep_flat, embeddings)
    return out.reshape(_NB, P, _D)


def kernel(train_indices_ref, train_embeddings_ref, train_indices_pos,
           train_embeddings_pos, indices, Z_ssps, embeddings, step_rel):
    M = train_embeddings_ref.shape[0]
    P = train_indices_pos.shape[0]
    step = jnp.asarray(step_rel, jnp.int32)
    step_vec = jnp.full((16,), step, jnp.int32)

    sc = functools.partial(
        pl.kernel,
        out_type=[
            jax.ShapeDtypeStruct((M, _D), jnp.float32),
            jax.ShapeDtypeStruct((M,), jnp.int32),
            jax.ShapeDtypeStruct((P,), jnp.int32),
        ],
        mesh=plsc.VectorSubcoreMesh(core_axis_name="c", subcore_axis_name="s"),
        scratch_types=[
            pltpu.MemorySpace.VMEM_SHARED((16, 3, _CR, _D), jnp.float32),
            pltpu.VMEM((_B,), jnp.int32),
            pltpu.VMEM((_B,), jnp.int32),
            pltpu.VMEM((16,), jnp.int32),
            pltpu.SemaphoreType.DMA,
            pltpu.SemaphoreType.DMA,
            pltpu.SemaphoreType.DMA,
            pltpu.SemaphoreType.DMA,
        ],
        compiler_params=pltpu.CompilerParams(needs_layout_passes=False),
    )(_sc_body)

    te_out, ti_out, tip_out = sc(
        train_embeddings_ref, train_indices_ref, train_indices_pos, indices,
        Z_ssps, step_vec)

    tep_out = _tc_update_pos(train_embeddings_pos, embeddings,
                             step.reshape(1))

    return (ti_out, te_out, tip_out, tep_out)

# --- scband reference (transcript-rebuilt; emitter-appended) ---
"""Pipeline reference for scband-ssps-81767587381373 (READ-ONLY COPY).

The authoritative reference and input builder live on the scoring server;
editing this copy changes nothing except your own understanding.
"""

import jax, jax.numpy as jnp
import numpy as np

M_REF = 98304
P_POS = 65536
BATCH = 4096
D_REF = 128
D_POS = 128
NB_POS = 2
DATASET_SIZE = 100000
STEP_REL = 3


def setup_inputs(seed: int = 0) -> dict:
    key = jax.random.key(seed)
    ks = jax.random.split(key, 8)
    return {
        "train_indices_ref": jax.random.randint(ks[0], (M_REF,), 0, DATASET_SIZE, dtype=jnp.int32),
        "train_embeddings_ref": jax.random.normal(ks[1], (M_REF, D_REF), dtype=jnp.float32),
        "train_indices_pos": jax.random.randint(ks[2], (P_POS,), 0, DATASET_SIZE, dtype=jnp.int32),
        "train_embeddings_pos": jax.random.normal(ks[3], (NB_POS, P_POS, D_POS), dtype=jnp.float32),
        "indices": jax.random.randint(ks[4], (BATCH,), 0, DATASET_SIZE, dtype=jnp.int32),
        "Z_ssps": jax.random.normal(ks[5], (BATCH, D_REF), dtype=jnp.float32),
        "embeddings": jax.random.normal(ks[6], (NB_POS, BATCH, D_POS), dtype=jnp.float32),
        "step_rel": STEP_REL,
    }


def reference(train_indices_ref, train_embeddings_ref, train_indices_pos,
              train_embeddings_pos, indices, Z_ssps, embeddings, step_rel):
    # SSPS.update_buffers: contiguous-slice scatter (overwrite) into circular buffers.
    # gather() is a distributed all-gather; identity on a single device.
    B = indices.shape[0]
    start_ref = step_rel * B
    idx_ref = start_ref + jnp.arange(B)
    new_indices_ref = train_indices_ref.at[idx_ref].set(indices)
    new_embeddings_ref = train_embeddings_ref.at[idx_ref].set(Z_ssps)

    P = train_indices_pos.shape[0]
    start_pos = (step_rel * B) % P
    idx_pos = start_pos + jnp.arange(B)
    new_indices_pos = train_indices_pos.at[idx_pos].set(indices)
    # per-branch positive embedding queue writes (Z.detach() in torch)
    new_embeddings_pos = train_embeddings_pos.at[:, idx_pos, :].set(
        jax.lax.stop_gradient(embeddings))
    return (new_indices_ref, new_embeddings_ref, new_indices_pos, new_embeddings_pos)

if __name__ == "__main__":
    import jax
    _d = setup_inputs()
    print(jax.jit(kernel)(*tuple(_d.values())))

</pallas_src>

<mosaic_0001>
#map = affine_map<(d0, d1) -> (0, 0)>
#map1 = affine_map<(d0, d1) -> (0)>
module attributes {stable_mosaic.version = 14 : i64} {
  func.func @_sc_body(%arg0: i32, %arg1: i32, %arg2: memref<98304x128xf32, #tpu.memory_space<hbm>>, %arg3: memref<98304xi32, #tpu.memory_space<hbm>>, %arg4: memref<65536xi32, #tpu.memory_space<hbm>>, %arg5: memref<4096xi32, #tpu.memory_space<hbm>>, %arg6: memref<4096x128xf32, #tpu.memory_space<hbm>>, %arg7: memref<16xi32, #tpu.memory_space<hbm>>, %arg8: memref<98304x128xf32, #tpu.memory_space<hbm>>, %arg9: memref<98304xi32, #tpu.memory_space<hbm>>, %arg10: memref<65536xi32, #tpu.memory_space<hbm>>, %arg11: memref<16x3x256x128xf32, #tpu.memory_space<vmem_shared>>, %arg12: memref<4096xi32, #tpu.memory_space<vmem>>, %arg13: memref<4096xi32, #tpu.memory_space<vmem>>, %arg14: memref<16xi32, #tpu.memory_space<vmem>>, %arg15: memref<!tpu.dma_semaphore, #tpu.memory_space<semaphore_mem>>, %arg16: memref<!tpu.dma_semaphore, #tpu.memory_space<semaphore_mem>>, %arg17: memref<!tpu.dma_semaphore, #tpu.memory_space<semaphore_mem>>, %arg18: memref<!tpu.dma_semaphore, #tpu.memory_space<semaphore_mem>>) attributes {dimension_semantics = [#tpu.dimension_semantics<core_parallel>, #tpu.dimension_semantics<subcore_parallel>], iteration_bounds = array<i64: 2, 16>, scalar_prefetch = 0 : i64, scratch_operands = 8 : i64, tpu.core_type = #tpu.core_type<sc_vector_subcore>, window_params = [{transform_indices = #map}, {transform_indices = #map1}, {transform_indices = #map1}, {transform_indices = #map1}, {transform_indices = #map}, {transform_indices = #map1}, {transform_indices = #map}, {transform_indices = #map1}, {transform_indices = #map1}]} {
    %mul3A = arith.constant 2 : i32
    %mul3A_0 = arith.muli %arg1, %mul3A : i32
    %add3A = arith.addi %mul3A_0, %arg0 : i32
    "tpu.region"() ({
      %run_scoped3A = tpu.sem_alloc : memref<!tpu.dma_semaphore, #tpu.memory_space<semaphore_mem>>
      tpu.enqueue_dma source(%arg7 : memref<16xi32, #tpu.memory_space<hbm>>) target(%arg14 : memref<16xi32, #tpu.memory_space<vmem>>) target_semaphore(%run_scoped3A : memref<!tpu.dma_semaphore, #tpu.memory_space<semaphore_mem>>)
      tpu.wait_dma2 semaphore(%run_scoped3A : memref<!tpu.dma_semaphore, #tpu.memory_space<semaphore_mem>>) src(%arg7 : memref<16xi32, #tpu.memory_space<hbm>>) dst(%arg14 : memref<16xi32, #tpu.memory_space<vmem>>)
      tpu.yield
    }) : () -> ()
    %get3A = arith.constant 0 : index
    %get3A_1 = tpu.vector_load %arg14[%get3A] {strides = array<i32>} : memref<16xi32, #tpu.memory_space<vmem>>, vector<16xi32>,
    %reduce_max3A = arith.constant true
    %reduce_max3A_2 = vector.broadcast %reduce_max3A : i1 to vector<16xi1>
    %reduce_max3A_3 = arith.constant -2147483648 : i32
    %reduce_max3A_4 = vector.broadcast %reduce_max3A_3 : i32 to vector<16xi32>
    %reduce_max3A_5 = arith.xori %get3A_1, %reduce_max3A_4 : vector<16xi32>
    %reduce_max3A_6 = tpu.scan <max>, %reduce_max3A_5 masked %reduce_max3A_2 : vector<16xi32>, vector<16xi1> -> vector<16xi32>
    %reduce_max3A_7 = arith.xori %reduce_max3A_6, %reduce_max3A_4 : vector<16xi32>
    %reduce_max3A_8 = vector.extract %reduce_max3A_7[15] : i32 from vector<16xi32>
    %rem3A = arith.constant 16 : i32
    %rem3A_9 = arith.remsi %reduce_max3A_8, %rem3A : i32
    %lt3A = arith.constant 24 : i32
    %lt3A_10 = arith.cmpi slt, %add3A, %lt3A : i32
    %convert_element_type3A = arith.extui %lt3A_10 : i1 to i32
    %cond3A = arith.constant 0 : i32
    %cond3A_11 = arith.cmpi ne, %convert_element_type3A, %cond3A : i32
    scf.if %cond3A_11 {
      %ne3A = arith.cmpi ne, %add3A, %reduce_max3A_8 : i32
      %convert_element_type3A_612 = arith.extui %ne3A : i1 to i32
      %cond3A_613 = arith.constant 0 : i32
      %cond3A_614 = arith.cmpi ne, %convert_element_type3A_612, %cond3A_613 : i32
      scf.if %cond3A_614 {
        %mul3A_618 = arith.constant 4096 : i32
        %mul3A_619 = arith.muli %add3A, %mul3A_618 : i32
        %dma_start3A_620 = tpu.memref_slice %arg3[%mul3A_619] : memref<98304xi32, #tpu.memory_space<hbm>> -> memref<4096xi32, #tpu.memory_space<hbm>>
        %dma_start3A_621 = tpu.memref_slice %arg3[%mul3A_619] : memref<98304xi32, #tpu.memory_space<hbm>> -> memref<4096xi32, #tpu.memory_space<hbm>>
        tpu.enqueue_dma source(%dma_start3A_621 : memref<4096xi32, #tpu.memory_space<hbm>>) target(%arg12 : memref<4096xi32, #tpu.memory_space<vmem>>) target_semaphore(%arg17 : memref<!tpu.dma_semaphore, #tpu.memory_space<semaphore_mem>>)
      } else {
      }
      %eq3A = arith.cmpi eq, %add3A, %reduce_max3A_8 : i32
      %convert_element_type3A_615 = arith.extui %eq3A : i1 to i32
      %cond3A_616 = arith.constant 0 : i32
      %cond3A_617 = arith.cmpi ne, %convert_element_type3A_615, %cond3A_616 : i32
      scf.if %cond3A_617 {
        tpu.enqueue_dma source(%arg5 : memref<4096xi32, #tpu.memory_space<hbm>>) target(%arg12 : memref<4096xi32, #tpu.memory_space<vmem>>) target_semaphore(%arg17 : memref<!tpu.dma_semaphore, #tpu.memory_space<semaphore_mem>>)
      } else {
      }
    } else {
    }
    %lt3A_12 = arith.constant 16 : i32
    %lt3A_13 = arith.cmpi slt, %add3A, %lt3A_12 : i32
    %convert_element_type3A_14 = arith.extui %lt3A_13 : i1 to i32
    %cond3A_15 = arith.constant 0 : i32
    %cond3A_16 = arith.cmpi ne, %convert_element_type3A_14, %cond3A_15 : i32
    scf.if %cond3A_16 {
      %ne3A = arith.cmpi ne, %add3A, %rem3A_9 : i32
      %convert_element_type3A_612 = arith.extui %ne3A : i1 to i32
      %cond3A_613 = arith.constant 0 : i32
      %cond3A_614 = arith.cmpi ne, %convert_element_type3A_612, %cond3A_613 : i32
      scf.if %cond3A_614 {
        %mul3A_618 = arith.constant 4096 : i32
        %mul3A_619 = arith.muli %add3A, %mul3A_618 : i32
        %dma_start3A_620 = tpu.memref_slice %arg4[%mul3A_619] : memref<65536xi32, #tpu.memory_space<hbm>> -> memref<4096xi32, #tpu.memory_space<hbm>>
        %dma_start3A_621 = tpu.memref_slice %arg4[%mul3A_619] : memref<65536xi32, #tpu.memory_space<hbm>> -> memref<4096xi32, #tpu.memory_space<hbm>>
        tpu.enqueue_dma source(%dma_start3A_621 : memref<4096xi32, #tpu.memory_space<hbm>>) target(%arg13 : memref<4096xi32, #tpu.memory_space<vmem>>) target_semaphore(%arg18 : memref<!tpu.dma_semaphore, #tpu.memory_space<semaphore_mem>>)
      } else {
      }
      %eq3A = arith.cmpi eq, %add3A, %rem3A_9 : i32
      %convert_element_type3A_615 = arith.extui %eq3A : i1 to i32
      %cond3A_616 = arith.constant 0 : i32
      %cond3A_617 = arith.cmpi ne, %convert_element_type3A_615, %cond3A_616 : i32
      scf.if %cond3A_617 {
        tpu.enqueue_dma source(%arg5 : memref<4096xi32, #tpu.memory_space<hbm>>) target(%arg13 : memref<4096xi32, #tpu.memory_space<vmem>>) target_semaphore(%arg18 : memref<!tpu.dma_semaphore, #tpu.memory_space<semaphore_mem>>)
      } else {
      }
    } else {
    }
    %mul3A_17 = arith.constant 3072 : i32
    %mul3A_18 = arith.muli %add3A, %mul3A_17 : i32
    %mul3A_19 = arith.constant 16 : i32
    %mul3A_20 = arith.muli %reduce_max3A_8, %mul3A_19 : i32
    %mul3A_21 = arith.constant 12 : i32
    %mul3A_22 = arith.muli %add3A, %mul3A_21 : i32
    %add3A_23 = arith.constant 0 : i32
    %add3A_24 = arith.addi %mul3A_22, %add3A_23 : i32
    %lt3A_25 = arith.cmpi slt, %add3A_24, %mul3A_20 : i32
    %add3A_26 = arith.constant 16 : i32
    %add3A_27 = arith.addi %mul3A_20, %add3A_26 : i32
    %ge3A = arith.cmpi sge, %add3A_24, %add3A_27 : i32
    %or3A = arith.ori %lt3A_25, %ge3A : i1
    %convert_element_type3A_28 = arith.extui %or3A : i1 to i32
    %cond3A_29 = arith.constant 0 : i32
    %cond3A_30 = arith.constant 0 : i32
    %cond3A_31 = arith.cmpi ne, %convert_element_type3A_28, %cond3A_30 : i32
    scf.if %cond3A_31 {
      %add3A_612 = arith.constant 0 : i32
      %add3A_613 = arith.addi %mul3A_18, %add3A_612 : i32
      %dma_start3A_614 = arith.constant 0 : i32
      %dma_start3A_615 = arith.constant 0 : i32
      %dma_start3A_616 = tpu.memref_slice %arg11[%arg1, %cond3A_29, %dma_start3A_614, %dma_start3A_615] : memref<16x3x256x128xf32, #tpu.memory_space<vmem_shared>> -> memref<1x1x256x128xf32, #tpu.memory_space<vmem_shared>>
      %dma_start3A_617 = tpu.memref_squeeze %dma_start3A_616 : memref<1x1x256x128xf32, #tpu.memory_space<vmem_shared>> -> memref<256x128xf32, #tpu.memory_space<vmem_shared>>
      %dma_start3A_618 = arith.constant 0 : i32
      %dma_start3A_619 = tpu.memref_slice %arg2[%add3A_613, %dma_start3A_618] : memref<98304x128xf32, #tpu.memory_space<hbm>> -> memref<256x128xf32, #tpu.memory_space<hbm>>
      tpu.enqueue_dma source(%dma_start3A_619 : memref<256x128xf32, #tpu.memory_space<hbm>>) target(%dma_start3A_617 : memref<256x128xf32, #tpu.memory_space<vmem_shared>>) target_semaphore(%arg15 : memref<!tpu.dma_semaphore, #tpu.memory_space<semaphore_mem>>)
    } else {
    }
    %ge3A_32 = arith.cmpi sge, %add3A_24, %mul3A_20 : i32
    %add3A_33 = arith.constant 16 : i32
    %add3A_34 = arith.addi %mul3A_20, %add3A_33 : i32
    %lt3A_35 = arith.cmpi slt, %add3A_24, %add3A_34 : i32
    %and3A = arith.andi %ge3A_32, %lt3A_35 : i1
    %convert_element_type3A_36 = arith.extui %and3A : i1 to i32
    %cond3A_37 = arith.constant 0 : i32
    %cond3A_38 = arith.constant 0 : i32
    %cond3A_39 = arith.cmpi ne, %convert_element_type3A_36, %cond3A_38 : i32
    scf.if %cond3A_39 {
      %sub3A = arith.subi %add3A_24, %mul3A_20 : i32
      %mul3A_612 = arith.constant 256 : i32
      %mul3A_613 = arith.muli %sub3A, %mul3A_612 : i32
      %dma_start3A_614 = arith.constant 0 : i32
      %dma_start3A_615 = arith.constant 0 : i32
      %dma_start3A_616 = tpu.memref_slice %arg11[%arg1, %cond3A_37, %dma_start3A_614, %dma_start3A_615] : memref<16x3x256x128xf32, #tpu.memory_space<vmem_shared>> -> memref<1x1x256x128xf32, #tpu.memory_space<vmem_shared>>
      %dma_start3A_617 = tpu.memref_squeeze %dma_start3A_616 : memref<1x1x256x128xf32, #tpu.memory_space<vmem_shared>> -> memref<256x128xf32, #tpu.memory_space<vmem_shared>>
      %dma_start3A_618 = arith.constant 0 : i32
      %dma_start3A_619 = tpu.memref_slice %arg6[%mul3A_613, %dma_start3A_618] : memref<4096x128xf32, #tpu.memory_space<hbm>> -> memref<256x128xf32, #tpu.memory_space<hbm>>
      tpu.enqueue_dma source(%dma_start3A_619 : memref<256x128xf32, #tpu.memory_space<hbm>>) target(%dma_start3A_617 : memref<256x128xf32, #tpu.memory_space<vmem_shared>>) target_semaphore(%arg15 : memref<!tpu.dma_semaphore, #tpu.memory_space<semaphore_mem>>)
    } else {
    }
    %mul3A_40 = arith.constant 12 : i32
    %mul3A_41 = arith.muli %add3A, %mul3A_40 : i32
    %add3A_42 = arith.constant 1 : i32
    %add3A_43 = arith.addi %mul3A_41, %add3A_42 : i32
    %lt3A_44 = arith.cmpi slt, %add3A_43, %mul3A_20 : i32
    %add3A_45 = arith.constant 16 : i32
    %add3A_46 = arith.addi %mul3A_20, %add3A_45 : i32
    %ge3A_47 = arith.cmpi sge, %add3A_43, %add3A_46 : i32
    %or3A_48 = arith.ori %lt3A_44, %ge3A_47 : i1
    %convert_element_type3A_49 = arith.extui %or3A_48 : i1 to i32
    %cond3A_50 = arith.constant 1 : i32
    %cond3A_51 = arith.constant 0 : i32
    %cond3A_52 = arith.cmpi ne, %convert_element_type3A_49, %cond3A_51 : i32
    scf.if %cond3A_52 {
      %add3A_612 = arith.constant 256 : i32
      %add3A_613 = arith.addi %mul3A_18, %add3A_612 : i32
      %dma_start3A_614 = arith.constant 0 : i32
      %dma_start3A_615 = arith.constant 0 : i32
      %dma_start3A_616 = tpu.memref_slice %arg11[%arg1, %cond3A_50, %dma_start3A_614, %dma_start3A_615] : memref<16x3x256x128xf32, #tpu.memory_space<vmem_shared>> -> memref<1x1x256x128xf32, #tpu.memory_space<vmem_shared>>
      %dma_start3A_617 = tpu.memref_squeeze %dma_start3A_616 : memref<1x1x256x128xf32, #tpu.memory_space<vmem_shared>> -> memref<256x128xf32, #tpu.memory_space<vmem_shared>>
      %dma_start3A_618 = arith.constant 0 : i32
      %dma_start3A_619 = tpu.memref_slice %arg2[%add3A_613, %dma_start3A_618] : memref<98304x128xf32, #tpu.memory_space<hbm>> -> memref<256x128xf32, #tpu.memory_space<hbm>>
      tpu.enqueue_dma source(%dma_start3A_619 : memref<256x128xf32, #tpu.memory_space<hbm>>) target(%dma_start3A_617 : memref<256x128xf32, #tpu.memory_space<vmem_shared>>) target_semaphore(%arg15 : memref<!tpu.dma_semaphore, #tpu.memory_space<semaphore_mem>>)
    } else {
    }
    %ge3A_53 = arith.cmpi sge, %add3A_43, %mul3A_20 : i32
    %add3A_54 = arith.constant 16 : i32
    %add3A_55 = arith.addi %mul3A_20, %add3A_54 : i32
    %lt3A_56 = arith.cmpi slt, %add3A_43, %add3A_55 : i32
    %and3A_57 = arith.andi %ge3A_53, %lt3A_56 : i1
    %convert_element_type3A_58 = arith.extui %and3A_57 : i1 to i32
    %cond3A_59 = arith.constant 1 : i32
    %cond3A_60 = arith.constant 0 : i32
    %cond3A_61 = arith.cmpi ne, %convert_element_type3A_58, %cond3A_60 : i32
    scf.if %cond3A_61 {
      %sub3A = arith.subi %add3A_43, %mul3A_20 : i32
      %mul3A_612 = arith.constant 256 : i32
      %mul3A_613 = arith.muli %sub3A, %mul3A_612 : i32
      %dma_start3A_614 = arith.constant 0 : i32
      %dma_start3A_615 = arith.constant 0 : i32
      %dma_start3A_616 = tpu.memref_slice %arg11[%arg1, %cond3A_59, %dma_start3A_614, %dma_start3A_615] : memref<16x3x256x128xf32, #tpu.memory_space<vmem_shared>> -> memref<1x1x256x128xf32, #tpu.memory_space<vmem_shared>>
      %dma_start3A_617 = tpu.memref_squeeze %dma_start3A_616 : memref<1x1x256x128xf32, #tpu.memory_space<vmem_shared>> -> memref<256x128xf32, #tpu.memory_space<vmem_shared>>
      %dma_start3A_618 = arith.constant 0 : i32
      %dma_start3A_619 = tpu.memref_slice %arg6[%mul3A_613, %dma_start3A_618] : memref<4096x128xf32, #tpu.memory_space<hbm>> -> memref<256x128xf32, #tpu.memory_space<hbm>>
      tpu.enqueue_dma source(%dma_start3A_619 : memref<256x128xf32, #tpu.memory_space<hbm>>) target(%dma_start3A_617 : memref<256x128xf32, #tpu.memory_space<vmem_shared>>) target_semaphore(%arg15 : memref<!tpu.dma_semaphore, #tpu.memory_space<semaphore_mem>>)
    } else {
    }
    %dma_wait3A = arith.constant 0 : i32
    %dma_wait3A_62 = arith.constant 0 : i32
    %dma_wait3A_63 = arith.constant 0 : i32
    %dma_wait3A_64 = tpu.memref_slice %arg11[%arg1, %dma_wait3A, %dma_wait3A_62, %dma_wait3A_63] : memref<16x3x256x128xf32, #tpu.memory_space<vmem_shared>> -> memref<1x1x256x128xf32, #tpu.memory_space<vmem_shared>>
    %dma_wait3A_65 = tpu.memref_squeeze %dma_wait3A_64 : memref<1x1x256x128xf32, #tpu.memory_space<vmem_shared>> -> memref<256x128xf32, #tpu.memory_space<vmem_shared>>
    %dma_wait3A_66 = arith.constant 0 : i32
    %dma_wait3A_67 = arith.constant 0 : i32
    %dma_wait3A_68 = tpu.memref_slice %arg6[%dma_wait3A_66, %dma_wait3A_67] : memref<4096x128xf32, #tpu.memory_space<hbm>> -> memref<256x128xf32, #tpu.memory_space<hbm>>
    tpu.wait_dma2 semaphore(%arg15 : memref<!tpu.dma_semaphore, #tpu.memory_space<semaphore_mem>>) src(%dma_wait3A_68 : memref<256x128xf32, #tpu.memory_space<hbm>>) dst(%dma_wait3A_65 : memref<256x128xf32, #tpu.memory_space<vmem_shared>>)
    %add3A_69 = arith.constant 0 : i32
    %add3A_70 = arith.addi %mul3A_18, %add3A_69 : i32
    %dma_start3A = arith.constant 0 : i32
    %dma_start3A_71 = arith.constant 0 : i32
    %dma_start3A_72 = tpu.memref_slice %arg8[%add3A_70, %dma_start3A_71] : memref<98304x128xf32, #tpu.memory_space<hbm>> -> memref<256x128xf32, #tpu.memory_space<hbm>>
    %dma_start3A_73 = arith.constant 0 : i32
    %dma_start3A_74 = arith.constant 0 : i32
    %dma_start3A_75 = tpu.memref_slice %arg11[%arg1, %dma_start3A, %dma_start3A_73, %dma_start3A_74] : memref<16x3x256x128xf32, #tpu.memory_space<vmem_shared>> -> memref<1x1x256x128xf32, #tpu.memory_space<vmem_shared>>
    %dma_start3A_76 = tpu.memref_squeeze %dma_start3A_75 : memref<1x1x256x128xf32, #tpu.memory_space<vmem_shared>> -> memref<256x128xf32, #tpu.memory_space<vmem_shared>>
    tpu.enqueue_dma source(%dma_start3A_76 : memref<256x128xf32, #tpu.memory_space<vmem_shared>>) target(%dma_start3A_72 : memref<256x128xf32, #tpu.memory_space<hbm>>) target_semaphore(%arg16 : memref<!tpu.dma_semaphore, #tpu.memory_space<semaphore_mem>>)
    %mul3A_77 = arith.constant 12 : i32
    %mul3A_78 = arith.muli %add3A, %mul3A_77 : i32
    %add3A_79 = arith.constant 2 : i32
    %add3A_80 = arith.addi %mul3A_78, %add3A_79 : i32
    %lt3A_81 = arith.cmpi slt, %add3A_80, %mul3A_20 : i32
    %add3A_82 = arith.constant 16 : i32
    %add3A_83 = arith.addi %mul3A_20, %add3A_82 : i32
    %ge3A_84 = arith.cmpi sge, %add3A_80, %add3A_83 : i32
    %or3A_85 = arith.ori %lt3A_81, %ge3A_84 : i1
    %convert_element_type3A_86 = arith.extui %or3A_85 : i1 to i32
    %cond3A_87 = arith.constant 2 : i32
    %cond3A_88 = arith.constant 0 : i32
    %cond3A_89 = arith.cmpi ne, %convert_element_type3A_86, %cond3A_88 : i32
    scf.if %cond3A_89 {
      %add3A_612 = arith.constant 512 : i32
      %add3A_613 = arith.addi %mul3A_18, %add3A_612 : i32
      %dma_start3A_614 = arith.constant 0 : i32
      %dma_start3A_615 = arith.constant 0 : i32
      %dma_start3A_616 = tpu.memref_slice %arg11[%arg1, %cond3A_87, %dma_start3A_614, %dma_start3A_615] : memref<16x3x256x128xf32, #tpu.memory_space<vmem_shared>> -> memref<1x1x256x128xf32, #tpu.memory_space<vmem_shared>>
      %dma_start3A_617 = tpu.memref_squeeze %dma_start3A_616 : memref<1x1x256x128xf32, #tpu.memory_space<vmem_shared>> -> memref<256x128xf32, #tpu.memory_space<vmem_shared>>
      %dma_start3A_618 = arith.constant 0 : i32
      %dma_start3A_619 = tpu.memref_slice %arg2[%add3A_613, %dma_start3A_618] : memref<98304x128xf32, #tpu.memory_space<hbm>> -> memref<256x128xf32, #tpu.memory_space<hbm>>
      tpu.enqueue_dma source(%dma_start3A_619 : memref<256x128xf32, #tpu.memory_space<hbm>>) target(%dma_start3A_617 : memref<256x128xf32, #tpu.memory_space<vmem_shared>>) target_semaphore(%arg15 : memref<!tpu.dma_semaphore, #tpu.memory_space<semaphore_mem>>)
    } else {
    }
    %ge3A_90 = arith.cmpi sge, %add3A_80, %mul3A_20 : i32
    %add3A_91 = arith.constant 16 : i32
    %add3A_92 = arith.addi %mul3A_20, %add3A_91 : i32
    %lt3A_93 = arith.cmpi slt, %add3A_80, %add3A_92 : i32
    %and3A_94 = arith.andi %ge3A_90, %lt3A_93 : i1
    %convert_element_type3A_95 = arith.extui %and3A_94 : i1 to i32
    %cond3A_96 = arith.constant 2 : i32
    %cond3A_97 = arith.constant 0 : i32
    %cond3A_98 = arith.cmpi ne, %convert_element_type3A_95, %cond3A_97 : i32
    scf.if %cond3A_98 {
      %sub3A = arith.subi %add3A_80, %mul3A_20 : i32
      %mul3A_612 = arith.constant 256 : i32
      %mul3A_613 = arith.muli %sub3A, %mul3A_612 : i32
      %dma_start3A_614 = arith.constant 0 : i32
      %dma_start3A_615 = arith.constant 0 : i32
      %dma_start3A_616 = tpu.memref_slice %arg11[%arg1, %cond3A_96, %dma_start3A_614, %dma_start3A_615] : memref<16x3x256x128xf32, #tpu.memory_space<vmem_shared>> -> memref<1x1x256x128xf32, #tpu.memory_space<vmem_shared>>
      %dma_start3A_617 = tpu.memref_squeeze %dma_start3A_616 : memref<1x1x256x128xf32, #tpu.memory_space<vmem_shared>> -> memref<256x128xf32, #tpu.memory_space<vmem_shared>>
      %dma_start3A_618 = arith.constant 0 : i32
      %dma_start3A_619 = tpu.memref_slice %arg6[%mul3A_613, %dma_start3A_618] : memref<4096x128xf32, #tpu.memory_space<hbm>> -> memref<256x128xf32, #tpu.memory_space<hbm>>
      tpu.enqueue_dma source(%dma_start3A_619 : memref<256x128xf32, #tpu.memory_space<hbm>>) target(%dma_start3A_617 : memref<256x128xf32, #tpu.memory_space<vmem_shared>>) target_semaphore(%arg15 : memref<!tpu.dma_semaphore, #tpu.memory_space<semaphore_mem>>)
    } else {
    }
    %dma_wait3A_99 = arith.constant 1 : i32
    %dma_wait3A_100 = arith.constant 0 : i32
    %dma_wait3A_101 = arith.constant 0 : i32
    %dma_wait3A_102 = tpu.memref_slice %arg11[%arg1, %dma_wait3A_99, %dma_wait3A_100, %dma_wait3A_101] : memref<16x3x256x128xf32, #tpu.memory_space<vmem_shared>> -> memref<1x1x256x128xf32, #tpu.memory_space<vmem_shared>>
    %dma_wait3A_103 = tpu.memref_squeeze %dma_wait3A_102 : memref<1x1x256x128xf32, #tpu.memory_space<vmem_shared>> -> memref<256x128xf32, #tpu.memory_space<vmem_shared>>
    %dma_wait3A_104 = arith.constant 0 : i32
    %dma_wait3A_105 = arith.constant 0 : i32
    %dma_wait3A_106 = tpu.memref_slice %arg6[%dma_wait3A_104, %dma_wait3A_105] : memref<4096x128xf32, #tpu.memory_space<hbm>> -> memref<256x128xf32, #tpu.memory_space<hbm>>
    tpu.wait_dma2 semaphore(%arg15 : memref<!tpu.dma_semaphore, #tpu.memory_space<semaphore_mem>>) src(%dma_wait3A_106 : memref<256x128xf32, #tpu.memory_space<hbm>>) dst(%dma_wait3A_103 : memref<256x128xf32, #tpu.memory_space<vmem_shared>>)
    %add3A_107 = arith.constant 256 : i32
    %add3A_108 = arith.addi %mul3A_18, %add3A_107 : i32
    %dma_start3A_109 = arith.constant 1 : i32
    %dma_start3A_110 = arith.constant 0 : i32
    %dma_start3A_111 = tpu.memref_slice %arg8[%add3A_108, %dma_start3A_110] : memref<98304x128xf32, #tpu.memory_space<hbm>> -> memref<256x128xf32, #tpu.memory_space<hbm>>
    %dma_start3A_112 = arith.constant 0 : i32
    %dma_start3A_113 = arith.constant 0 : i32
    %dma_start3A_114 = tpu.memref_slice %arg11[%arg1, %dma_start3A_109, %dma_start3A_112, %dma_start3A_113] : memref<16x3x256x128xf32, #tpu.memory_space<vmem_shared>> -> memref<1x1x256x128xf32, #tpu.memory_space<vmem_shared>>
    %dma_start3A_115 = tpu.memref_squeeze %dma_start3A_114 : memref<1x1x256x128xf32, #tpu.memory_space<vmem_shared>> -> memref<256x128xf32, #tpu.memory_space<vmem_shared>>
    tpu.enqueue_dma source(%dma_start3A_115 : memref<256x128xf32, #tpu.memory_space<vmem_shared>>) target(%dma_start3A_111 : memref<256x128xf32, #tpu.memory_space<hbm>>) target_semaphore(%arg16 : memref<!tpu.dma_semaphore, #tpu.memory_space<semaphore_mem>>)
    %add3A_116 = arith.constant 0 : i32
    %add3A_117 = arith.addi %mul3A_18, %add3A_116 : i32
    %dma_wait3A_118 = arith.constant 0 : i32
    %dma_wait3A_119 = arith.constant 0 : i32
    %dma_wait3A_120 = tpu.memref_slice %arg8[%add3A_117, %dma_wait3A_119] : memref<98304x128xf32, #tpu.memory_space<hbm>> -> memref<256x128xf32, #tpu.memory_space<hbm>>
    %dma_wait3A_121 = arith.constant 0 : i32
    %dma_wait3A_122 = arith.constant 0 : i32
    %dma_wait3A_123 = tpu.memref_slice %arg11[%arg1, %dma_wait3A_118, %dma_wait3A_121, %dma_wait3A_122] : memref<16x3x256x128xf32, #tpu.memory_space<vmem_shared>> -> memref<1x1x256x128xf32, #tpu.memory_space<vmem_shared>>
    %dma_wait3A_124 = tpu.memref_squeeze %dma_wait3A_123 : memref<1x1x256x128xf32, #tpu.memory_space<vmem_shared>> -> memref<256x128xf32, #tpu.memory_space<vmem_shared>>
    tpu.wait_dma2 semaphore(%arg16 : memref<!tpu.dma_semaphore, #tpu.memory_space<semaphore_mem>>) src(%dma_wait3A_124 : memref<256x128xf32, #tpu.memory_space<vmem_shared>>) dst(%dma_wait3A_120 : memref<256x128xf32, #tpu.memory_space<hbm>>)
    %mul3A_125 = arith.constant 12 : i32
    %mul3A_126 = arith.muli %add3A, %mul3A_125 : i32
    %add3A_127 = arith.constant 3 : i32
    %add3A_128 = arith.addi %mul3A_126, %add3A_127 : i32
    %lt3A_129 = arith.cmpi slt, %add3A_128, %mul3A_20 : i32
    %add3A_130 = arith.constant 16 : i32
    %add3A_131 = arith.addi %mul3A_20, %add3A_130 : i32
    %ge3A_132 = arith.cmpi sge, %add3A_128, %add3A_131 : i32
    %or3A_133 = arith.ori %lt3A_129, %ge3A_132 : i1
    %convert_element_type3A_134 = arith.extui %or3A_133 : i1 to i32
    %cond3A_135 = arith.constant 0 : i32
    %cond3A_136 = arith.constant 0 : i32
    %cond3A_137 = arith.cmpi ne, %convert_element_type3A_134, %cond3A_136 : i32
    scf.if %cond3A_137 {
      %add3A_612 = arith.constant 768 : i32
      %add3A_613 = arith.addi %mul3A_18, %add3A_612 : i32
      %dma_start3A_614 = arith.constant 0 : i32
      %dma_start3A_615 = arith.constant 0 : i32
      %dma_start3A_616 = tpu.memref_slice %arg11[%arg1, %cond3A_135, %dma_start3A_614, %dma_start3A_615] : memref<16x3x256x128xf32, #tpu.memory_space<vmem_shared>> -> memref<1x1x256x128xf32, #tpu.memory_space<vmem_shared>>
      %dma_start3A_617 = tpu.memref_squeeze %dma_start3A_616 : memref<1x1x256x128xf32, #tpu.memory_space<vmem_shared>> -> memref<256x128xf32, #tpu.memory_space<vmem_shared>>
      %dma_start3A_618 = arith.constant 0 : i32
      %dma_start3A_619 = tpu.memref_slice %arg2[%add3A_613, %dma_start3A_618] : memref<98304x128xf32, #tpu.memory_space<hbm>> -> memref<256x128xf32, #tpu.memory_space<hbm>>
      tpu.enqueue_dma source(%dma_start3A_619 : memref<256x128xf32, #tpu.memory_space<hbm>>) target(%dma_start3A_617 : memref<256x128xf32, #tpu.memory_space<vmem_shared>>) target_semaphore(%arg15 : memref<!tpu.dma_semaphore, #tpu.memory_space<semaphore_mem>>)
    } else {
    }
    %ge3A_138 = arith.cmpi sge, %add3A_128, %mul3A_20 : i32
    %add3A_139 = arith.constant 16 : i32
    %add3A_140 = arith.addi %mul3A_20, %add3A_139 : i32
    %lt3A_141 = arith.cmpi slt, %add3A_128, %add3A_140 : i32
    %and3A_142 = arith.andi %ge3A_138, %lt3A_141 : i1
    %convert_element_type3A_143 = arith.extui %and3A_142 : i1 to i32
    %cond3A_144 = arith.constant 0 : i32
    %cond3A_145 = arith.constant 0 : i32
    %cond3A_146 = arith.cmpi ne, %convert_element_type3A_143, %cond3A_145 : i32
    scf.if %cond3A_146 {
      %sub3A = arith.subi %add3A_128, %mul3A_20 : i32
      %mul3A_612 = arith.constant 256 : i32
      %mul3A_613 = arith.muli %sub3A, %mul3A_612 : i32
      %dma_start3A_614 = arith.constant 0 : i32
      %dma_start3A_615 = arith.constant 0 : i32
      %dma_start3A_616 = tpu.memref_slice %arg11[%arg1, %cond3A_144, %dma_start3A_614, %dma_start3A_615] : memref<16x3x256x128xf32, #tpu.memory_space<vmem_shared>> -> memref<1x1x256x128xf32, #tpu.memory_space<vmem_shared>>
      %dma_start3A_617 = tpu.memref_squeeze %dma_start3A_616 : memref<1x1x256x128xf32, #tpu.memory_space<vmem_shared>> -> memref<256x128xf32, #tpu.memory_space<vmem_shared>>
      %dma_start3A_618 = arith.constant 0 : i32
      %dma_start3A_619 = tpu.memref_slice %arg6[%mul3A_613, %dma_start3A_618] : memref<4096x128xf32, #tpu.memory_space<hbm>> -> memref<256x128xf32, #tpu.memory_space<hbm>>
      tpu.enqueue_dma source(%dma_start3A_619 : memref<256x128xf32, #tpu.memory_space<hbm>>) target(%dma_start3A_617 : memref<256x128xf32, #tpu.memory_space<vmem_shared>>) target_semaphore(%arg15 : memref<!tpu.dma_semaphore, #tpu.memory_space<semaphore_mem>>)
    } else {
    }
    %dma_wait3A_147 = arith.constant 2 : i32
    %dma_wait3A_148 = arith.constant 0 : i32
    %dma_wait3A_149 = arith.constant 0 : i32
    %dma_wait3A_150 = tpu.memref_slice %arg11[%arg1, %dma_wait3A_147, %dma_wait3A_148, %dma_wait3A_149] : memref<16x3x256x128xf32, #tpu.memory_space<vmem_shared>> -> memref<1x1x256x128xf32, #tpu.memory_space<vmem_shared>>
    %dma_wait3A_151 = tpu.memref_squeeze %dma_wait3A_150 : memref<1x1x256x128xf32, #tpu.memory_space<vmem_shared>> -> memref<256x128xf32, #tpu.memory_space<vmem_shared>>
    %dma_wait3A_152 = arith.constant 0 : i32
    %dma_wait3A_153 = arith.constant 0 : i32
    %dma_wait3A_154 = tpu.memref_slice %arg6[%dma_wait3A_152, %dma_wait3A_153] : memref<4096x128xf32, #tpu.memory_space<hbm>> -> memref<256x128xf32, #tpu.memory_space<hbm>>
    tpu.wait_dma2 semaphore(%arg15 : memref<!tpu.dma_semaphore, #tpu.memory_space<semaphore_mem>>) src(%dma_wait3A_154 : memref<256x128xf32, #tpu.memory_space<hbm>>) dst(%dma_wait3A_151 : memref<256x128xf32, #tpu.memory_space<vmem_shared>>)
    %add3A_155 = arith.constant 512 : i32
    %add3A_156 = arith.addi %mul3A_18, %add3A_155 : i32
    %dma_start3A_157 = arith.constant 2 : i32
    %dma_start3A_158 = arith.constant 0 : i32
    %dma_start3A_159 = tpu.memref_slice %arg8[%add3A_156, %dma_start3A_158] : memref<98304x128xf32, #tpu.memory_space<hbm>> -> memref<256x128xf32, #tpu.memory_space<hbm>>
    %dma_start3A_160 = arith.constant 0 : i32
    %dma_start3A_161 = arith.constant 0 : i32
    %dma_start3A_162 = tpu.memref_slice %arg11[%arg1, %dma_start3A_157, %dma_start3A_160, %dma_start3A_161] : memref<16x3x256x128xf32, #tpu.memory_space<vmem_shared>> -> memref<1x1x256x128xf32, #tpu.memory_space<vmem_shared>>
    %dma_start3A_163 = tpu.memref_squeeze %dma_start3A_162 : memref<1x1x256x128xf32, #tpu.memory_space<vmem_shared>> -> memref<256x128xf32, #tpu.memory_space<vmem_shared>>
    tpu.enqueue_dma source(%dma_start3A_163 : memref<256x128xf32, #tpu.memory_space<vmem_shared>>) target(%dma_start3A_159 : memref<256x128xf32, #tpu.memory_space<hbm>>) target_semaphore(%arg16 : memref<!tpu.dma_semaphore, #tpu.memory_space<semaphore_mem>>)
    %add3A_164 = arith.constant 256 : i32
    %add3A_165 = arith.addi %mul3A_18, %add3A_164 : i32
    %dma_wait3A_166 = arith.constant 1 : i32
    %dma_wait3A_167 = arith.constant 0 : i32
    %dma_wait3A_168 = tpu.memref_slice %arg8[%add3A_165, %dma_wait3A_167] : memref<98304x128xf32, #tpu.memory_space<hbm>> -> memref<256x128xf32, #tpu.memory_space<hbm>>
    %dma_wait3A_169 = arith.constant 0 : i32
    %dma_wait3A_170 = arith.constant 0 : i32
    %dma_wait3A_171 = tpu.memref_slice %arg11[%arg1, %dma_wait3A_166, %dma_wait3A_169, %dma_wait3A_170] : memref<16x3x256x128xf32, #tpu.memory_space<vmem_shared>> -> memref<1x1x256x128xf32, #tpu.memory_space<vmem_shared>>
    %dma_wait3A_172 = tpu.memref_squeeze %dma_wait3A_171 : memref<1x1x256x128xf32, #tpu.memory_space<vmem_shared>> -> memref<256x128xf32, #tpu.memory_space<vmem_shared>>
    tpu.wait_dma2 semaphore(%arg16 : memref<!tpu.dma_semaphore, #tpu.memory_space<semaphore_mem>>) src(%dma_wait3A_172 : memref<256x128xf32, #tpu.memory_space<vmem_shared>>) dst(%dma_wait3A_168 : memref<256x128xf32, #tpu.memory_space<hbm>>)
    %mul3A_173 = arith.constant 12 : i32
    %mul3A_174 = arith.muli %add3A, %mul3A_173 : i32
    %add3A_175 = arith.constant 4 : i32
    %add3A_176 = arith.addi %mul3A_174, %add3A_175 : i32
    %lt3A_177 = arith.cmpi slt, %add3A_176, %mul3A_20 : i32
    %add3A_178 = arith.constant 16 : i32
    %add3A_179 = arith.addi %mul3A_20, %add3A_178 : i32
    %ge3A_180 = arith.cmpi sge, %add3A_176, %add3A_179 : i32
    %or3A_181 = arith.ori %lt3A_177, %ge3A_180 : i1
    %convert_element_type3A_182 = arith.extui %or3A_181 : i1 to i32
    %cond3A_183 = arith.constant 1 : i32
    %cond3A_184 = arith.constant 0 : i32
    %cond3A_185 = arith.cmpi ne, %convert_element_type3A_182, %cond3A_184 : i32
    scf.if %cond3A_185 {
      %add3A_612 = arith.constant 1024 : i32
      %add3A_613 = arith.addi %mul3A_18, %add3A_612 : i32
      %dma_start3A_614 = arith.constant 0 : i32
      %dma_start3A_615 = arith.constant 0 : i32
      %dma_start3A_616 = tpu.memref_slice %arg11[%arg1, %cond3A_183, %dma_start3A_614, %dma_start3A_615] : memref<16x3x256x128xf32, #tpu.memory_space<vmem_shared>> -> memref<1x1x256x128xf32, #tpu.memory_space<vmem_shared>>
      %dma_start3A_617 = tpu.memref_squeeze %dma_start3A_616 : memref<1x1x256x128xf32, #tpu.memory_space<vmem_shared>> -> memref<256x128xf32, #tpu.memory_space<vmem_shared>>
      %dma_start3A_618 = arith.constant 0 : i32
      %dma_start3A_619 = tpu.memref_slice %arg2[%add3A_613, %dma_start3A_618] : memref<98304x128xf32, #tpu.memory_space<hbm>> -> memref<256x128xf32, #tpu.memory_space<hbm>>
      tpu.enqueue_dma source(%dma_start3A_619 : memref<256x128xf32, #tpu.memory_space<hbm>>) target(%dma_start3A_617 : memref<256x128xf32, #tpu.memory_space<vmem_shared>>) target_semaphore(%arg15 : memref<!tpu.dma_semaphore, #tpu.memory_space<semaphore_mem>>)
    } else {
    }
    %ge3A_186 = arith.cmpi sge, %add3A_176, %mul3A_20 : i32
    %add3A_187 = arith.constant 16 : i32
    %add3A_188 = arith.addi %mul3A_20, %add3A_187 : i32
    %lt3A_189 = arith.cmpi slt, %add3A_176, %add3A_188 : i32
    %and3A_190 = arith.andi %ge3A_186, %lt3A_189 : i1
    %convert_element_type3A_191 = arith.extui %and3A_190 : i1 to i32
    %cond3A_192 = arith.constant 1 : i32
    %cond3A_193 = arith.constant 0 : i32
    %cond3A_194 = arith.cmpi ne, %convert_element_type3A_191, %cond3A_193 : i32
    scf.if %cond3A_194 {
      %sub3A = arith.subi %add3A_176, %mul3A_20 : i32
      %mul3A_612 = arith.constant 256 : i32
      %mul3A_613 = arith.muli %sub3A, %mul3A_612 : i32
      %dma_start3A_614 = arith.constant 0 : i32
      %dma_start3A_615 = arith.constant 0 : i32
      %dma_start3A_616 = tpu.memref_slice %arg11[%arg1, %cond3A_192, %dma_start3A_614, %dma_start3A_615] : memref<16x3x256x128xf32, #tpu.memory_space<vmem_shared>> -> memref<1x1x256x128xf32, #tpu.memory_space<vmem_shared>>
      %dma_start3A_617 = tpu.memref_squeeze %dma_start3A_616 : memref<1x1x256x128xf32, #tpu.memory_space<vmem_shared>> -> memref<256x128xf32, #tpu.memory_space<vmem_shared>>
      %dma_start3A_618 = arith.constant 0 : i32
      %dma_start3A_619 = tpu.memref_slice %arg6[%mul3A_613, %dma_start3A_618] : memref<4096x128xf32, #tpu.memory_space<hbm>> -> memref<256x128xf32, #tpu.memory_space<hbm>>
      tpu.enqueue_dma source(%dma_start3A_619 : memref<256x128xf32, #tpu.memory_space<hbm>>) target(%dma_start3A_617 : memref<256x128xf32, #tpu.memory_space<vmem_shared>>) target_semaphore(%arg15 : memref<!tpu.dma_semaphore, #tpu.memory_space<semaphore_mem>>)
    } else {
    }
    %dma_wait3A_195 = arith.constant 0 : i32
    %dma_wait3A_196 = arith.constant 0 : i32
    %dma_wait3A_197 = arith.constant 0 : i32
    %dma_wait3A_198 = tpu.memref_slice %arg11[%arg1, %dma_wait3A_195, %dma_wait3A_196, %dma_wait3A_197] : memref<16x3x256x128xf32, #tpu.memory_space<vmem_shared>> -> memref<1x1x256x128xf32, #tpu.memory_space<vmem_shared>>
    %dma_wait3A_199 = tpu.memref_squeeze %dma_wait3A_198 : memref<1x1x256x128xf32, #tpu.memory_space<vmem_shared>> -> memref<256x128xf32, #tpu.memory_space<vmem_shared>>
    %dma_wait3A_200 = arith.constant 0 : i32
    %dma_wait3A_201 = arith.constant 0 : i32
    %dma_wait3A_202 = tpu.memref_slice %arg6[%dma_wait3A_200, %dma_wait3A_201] : memref<4096x128xf32, #tpu.memory_space<hbm>> -> memref<256x128xf32, #tpu.memory_space<hbm>>
    tpu.wait_dma2 semaphore(%arg15 : memref<!tpu.dma_semaphore, #tpu.memory_space<semaphore_mem>>) src(%dma_wait3A_202 : memref<256x128xf32, #tpu.memory_space<hbm>>) dst(%dma_wait3A_199 : memref<256x128xf32, #tpu.memory_space<vmem_shared>>)
    %add3A_203 = arith.constant 768 : i32
    %add3A_204 = arith.addi %mul3A_18, %add3A_203 : i32
    %dma_start3A_205 = arith.constant 0 : i32
    %dma_start3A_206 = arith.constant 0 : i32
    %dma_start3A_207 = tpu.memref_slice %arg8[%add3A_204, %dma_start3A_206] : memref<98304x128xf32, #tpu.memory_space<hbm>> -> memref<256x128xf32, #tpu.memory_space<hbm>>
    %dma_start3A_208 = arith.constant 0 : i32
    %dma_start3A_209 = arith.constant 0 : i32
    %dma_start3A_210 = tpu.memref_slice %arg11[%arg1, %dma_start3A_205, %dma_start3A_208, %dma_start3A_209] : memref<16x3x256x128xf32, #tpu.memory_space<vmem_shared>> -> memref<1x1x256x128xf32, #tpu.memory_space<vmem_shared>>
    %dma_start3A_211 = tpu.memref_squeeze %dma_start3A_210 : memref<1x1x256x128xf32, #tpu.memory_space<vmem_shared>> -> memref<256x128xf32, #tpu.memory_space<vmem_shared>>
    tpu.enqueue_dma source(%dma_start3A_211 : memref<256x128xf32, #tpu.memory_space<vmem_shared>>) target(%dma_start3A_207 : memref<256x128xf32, #tpu.memory_space<hbm>>) target_semaphore(%arg16 : memref<!tpu.dma_semaphore, #tpu.memory_space<semaphore_mem>>)
    %add3A_212 = arith.constant 512 : i32
    %add3A_213 = arith.addi %mul3A_18, %add3A_212 : i32
    %dma_wait3A_214 = arith.constant 2 : i32
    %dma_wait3A_215 = arith.constant 0 : i32
    %dma_wait3A_216 = tpu.memref_slice %arg8[%add3A_213, %dma_wait3A_215] : memref<98304x128xf32, #tpu.memory_space<hbm>> -> memref<256x128xf32, #tpu.memory_space<hbm>>
    %dma_wait3A_217 = arith.constant 0 : i32
    %dma_wait3A_218 = arith.constant 0 : i32
    %dma_wait3A_219 = tpu.memref_slice %arg11[%arg1, %dma_wait3A_214, %dma_wait3A_217, %dma_wait3A_218] : memref<16x3x256x128xf32, #tpu.memory_space<vmem_shared>> -> memref<1x1x256x128xf32, #tpu.memory_space<vmem_shared>>
    %dma_wait3A_220 = tpu.memref_squeeze %dma_wait3A_219 : memref<1x1x256x128xf32, #tpu.memory_space<vmem_shared>> -> memref<256x128xf32, #tpu.memory_space<vmem_shared>>
    tpu.wait_dma2 semaphore(%arg16 : memref<!tpu.dma_semaphore, #tpu.memory_space<semaphore_mem>>) src(%dma_wait3A_220 : memref<256x128xf32, #tpu.memory_space<vmem_shared>>) dst(%dma_wait3A_216 : memref<256x128xf32, #tpu.memory_space<hbm>>)
    %mul3A_221 = arith.constant 12 : i32
    %mul3A_222 = arith.muli %add3A, %mul3A_221 : i32
    %add3A_223 = arith.constant 5 : i32
    %add3A_224 = arith.addi %mul3A_222, %add3A_223 : i32
    %lt3A_225 = arith.cmpi slt, %add3A_224, %mul3A_20 : i32
    %add3A_226 = arith.constant 16 : i32
    %add3A_227 = arith.addi %mul3A_20, %add3A_226 : i32
    %ge3A_228 = arith.cmpi sge, %add3A_224, %add3A_227 : i32
    %or3A_229 = arith.ori %lt3A_225, %ge3A_228 : i1
    %convert_element_type3A_230 = arith.extui %or3A_229 : i1 to i32
    %cond3A_231 = arith.constant 2 : i32
    %cond3A_232 = arith.constant 0 : i32
    %cond3A_233 = arith.cmpi ne, %convert_element_type3A_230, %cond3A_232 : i32
    scf.if %cond3A_233 {
      %add3A_612 = arith.constant 1280 : i32
      %add3A_613 = arith.addi %mul3A_18, %add3A_612 : i32
      %dma_start3A_614 = arith.constant 0 : i32
      %dma_start3A_615 = arith.constant 0 : i32
      %dma_start3A_616 = tpu.memref_slice %arg11[%arg1, %cond3A_231, %dma_start3A_614, %dma_start3A_615] : memref<16x3x256x128xf32, #tpu.memory_space<vmem_shared>> -> memref<1x1x256x128xf32, #tpu.memory_space<vmem_shared>>
      %dma_start3A_617 = tpu.memref_squeeze %dma_start3A_616 : memref<1x1x256x128xf32, #tpu.memory_space<vmem_shared>> -> memref<256x128xf32, #tpu.memory_space<vmem_shared>>
      %dma_start3A_618 = arith.constant 0 : i32
      %dma_start3A_619 = tpu.memref_slice %arg2[%add3A_613, %dma_start3A_618] : memref<98304x128xf32, #tpu.memory_space<hbm>> -> memref<256x128xf32, #tpu.memory_space<hbm>>
      tpu.enqueue_dma source(%dma_start3A_619 : memref<256x128xf32, #tpu.memory_space<hbm>>) target(%dma_start3A_617 : memref<256x128xf32, #tpu.memory_space<vmem_shared>>) target_semaphore(%arg15 : memref<!tpu.dma_semaphore, #tpu.memory_space<semaphore_mem>>)
    } else {
    }
    %ge3A_234 = arith.cmpi sge, %add3A_224, %mul3A_20 : i32
    %add3A_235 = arith.constant 16 : i32
    %add3A_236 = arith.addi %mul3A_20, %add3A_235 : i32
    %lt3A_237 = arith.cmpi slt, %add3A_224, %add3A_236 : i32
    %and3A_238 = arith.andi %ge3A_234, %lt3A_237 : i1
    %convert_element_type3A_239 = arith.extui %and3A_238 : i1 to i32
    %cond3A_240 = arith.constant 2 : i32
    %cond3A_241 = arith.constant 0 : i32
    %cond3A_242 = arith.cmpi ne, %convert_element_type3A_239, %cond3A_241 : i32
    scf.if %cond3A_242 {
      %sub3A = arith.subi %add3A_224, %mul3A_20 : i32
      %mul3A_612 = arith.constant 256 : i32
      %mul3A_613 = arith.muli %sub3A, %mul3A_612 : i32
      %dma_start3A_614 = arith.constant 0 : i32
      %dma_start3A_615 = arith.constant 0 : i32
      %dma_start3A_616 = tpu.memref_slice %arg11[%arg1, %cond3A_240, %dma_start3A_614, %dma_start3A_615] : memref<16x3x256x128xf32, #tpu.memory_space<vmem_shared>> -> memref<1x1x256x128xf32, #tpu.memory_space<vmem_shared>>
      %dma_start3A_617 = tpu.memref_squeeze %dma_start3A_616 : memref<1x1x256x128xf32, #tpu.memory_space<vmem_shared>> -> memref<256x128xf32, #tpu.memory_space<vmem_shared>>
      %dma_start3A_618 = arith.constant 0 : i32
      %dma_start3A_619 = tpu.memref_slice %arg6[%mul3A_613, %dma_start3A_618] : memref<4096x128xf32, #tpu.memory_space<hbm>> -> memref<256x128xf32, #tpu.memory_space<hbm>>
      tpu.enqueue_dma source(%dma_start3A_619 : memref<256x128xf32, #tpu.memory_space<hbm>>) target(%dma_start3A_617 : memref<256x128xf32, #tpu.memory_space<vmem_shared>>) target_semaphore(%arg15 : memref<!tpu.dma_semaphore, #tpu.memory_space<semaphore_mem>>)
    } else {
    }
    %dma_wait3A_243 = arith.constant 1 : i32
    %dma_wait3A_244 = arith.constant 0 : i32
    %dma_wait3A_245 = arith.constant 0 : i32
    %dma_wait3A_246 = tpu.memref_slice %arg11[%arg1, %dma_wait3A_243, %dma_wait3A_244, %dma_wait3A_245] : memref<16x3x256x128xf32, #tpu.memory_space<vmem_shared>> -> memref<1x1x256x128xf32, #tpu.memory_space<vmem_shared>>
    %dma_wait3A_247 = tpu.memref_squeeze %dma_wait3A_246 : memref<1x1x256x128xf32, #tpu.memory_space<vmem_shared>> -> memref<256x128xf32, #tpu.memory_space<vmem_shared>>
    %dma_wait3A_248 = arith.constant 0 : i32
    %dma_wait3A_249 = arith.constant 0 : i32
    %dma_wait3A_250 = tpu.memref_slice %arg6[%dma_wait3A_248, %dma_wait3A_249] : memref<4096x128xf32, #tpu.memory_space<hbm>> -> memref<256x128xf32, #tpu.memory_space<hbm>>
    tpu.wait_dma2 semaphore(%arg15 : memref<!tpu.dma_semaphore, #tpu.memory_space<semaphore_mem>>) src(%dma_wait3A_250 : memref<256x128xf32, #tpu.memory_space<hbm>>) dst(%dma_wait3A_247 : memref<256x128xf32, #tpu.memory_space<vmem_shared>>)
    %add3A_251 = arith.constant 1024 : i32
    %add3A_252 = arith.addi %mul3A_18, %add3A_251 : i32
    %dma_start3A_253 = arith.constant 1 : i32
    %dma_start3A_254 = arith.constant 0 : i32
    %dma_start3A_255 = tpu.memref_slice %arg8[%add3A_252, %dma_start3A_254] : memref<98304x128xf32, #tpu.memory_space<hbm>> -> memref<256x128xf32, #tpu.memory_space<hbm>>
    %dma_start3A_256 = arith.constant 0 : i32
    %dma_start3A_257 = arith.constant 0 : i32
    %dma_start3A_258 = tpu.memref_slice %arg11[%arg1, %dma_start3A_253, %dma_start3A_256, %dma_start3A_257] : memref<16x3x256x128xf32, #tpu.memory_space<vmem_shared>> -> memref<1x1x256x128xf32, #tpu.memory_space<vmem_shared>>
    %dma_start3A_259 = tpu.memref_squeeze %dma_start3A_258 : memref<1x1x256x128xf32, #tpu.memory_space<vmem_shared>> -> memref<256x128xf32, #tpu.memory_space<vmem_shared>>
    tpu.enqueue_dma source(%dma_start3A_259 : memref<256x128xf32, #tpu.memory_space<vmem_shared>>) target(%dma_start3A_255 : memref<256x128xf32, #tpu.memory_space<hbm>>) target_semaphore(%arg16 : memref<!tpu.dma_semaphore, #tpu.memory_space<semaphore_mem>>)
    %add3A_260 = arith.constant 768 : i32
    %add3A_261 = arith.addi %mul3A_18, %add3A_260 : i32
    %dma_wait3A_262 = arith.constant 0 : i32
    %dma_wait3A_263 = arith.constant 0 : i32
    %dma_wait3A_264 = tpu.memref_slice %arg8[%add3A_261, %dma_wait3A_263] : memref<98304x128xf32, #tpu.memory_space<hbm>> -> memref<256x128xf32, #tpu.memory_space<hbm>>
    %dma_wait3A_265 = arith.constant 0 : i32
    %dma_wait3A_266 = arith.constant 0 : i32
    %dma_wait3A_267 = tpu.memref_slice %arg11[%arg1, %dma_wait3A_262, %dma_wait3A_265, %dma_wait3A_266] : memref<16x3x256x128xf32, #tpu.memory_space<vmem_shared>> -> memref<1x1x256x128xf32, #tpu.memory_space<vmem_shared>>
    %dma_wait3A_268 = tpu.memref_squeeze %dma_wait3A_267 : memref<1x1x256x128xf32, #tpu.memory_space<vmem_shared>> -> memref<256x128xf32, #tpu.memory_space<vmem_shared>>
    tpu.wait_dma2 semaphore(%arg16 : memref<!tpu.dma_semaphore, #tpu.memory_space<semaphore_mem>>) src(%dma_wait3A_268 : memref<256x128xf32, #tpu.memory_space<vmem_shared>>) dst(%dma_wait3A_264 : memref<256x128xf32, #tpu.memory_space<hbm>>)
    %mul3A_269 = arith.constant 12 : i32
    %mul3A_270 = arith.muli %add3A, %mul3A_269 : i32
    %add3A_271 = arith.constant 6 : i32
    %add3A_272 = arith.addi %mul3A_270, %add3A_271 : i32
    %lt3A_273 = arith.cmpi slt, %add3A_272, %mul3A_20 : i32
    %add3A_274 = arith.constant 16 : i32
    %add3A_275 = arith.addi %mul3A_20, %add3A_274 : i32
    %ge3A_276 = arith.cmpi sge, %add3A_272, %add3A_275 : i32
    %or3A_277 = arith.ori %lt3A_273, %ge3A_276 : i1
    %convert_element_type3A_278 = arith.extui %or3A_277 : i1 to i32
    %cond3A_279 = arith.constant 0 : i32
    %cond3A_280 = arith.constant 0 : i32
    %cond3A_281 = arith.cmpi ne, %convert_element_type3A_278, %cond3A_280 : i32
    scf.if %cond3A_281 {
      %add3A_612 = arith.constant 1536 : i32
      %add3A_613 = arith.addi %mul3A_18, %add3A_612 : i32
      %dma_start3A_614 = arith.constant 0 : i32
      %dma_start3A_615 = arith.constant 0 : i32
      %dma_start3A_616 = tpu.memref_slice %arg11[%arg1, %cond3A_279, %dma_start3A_614, %dma_start3A_615] : memref<16x3x256x128xf32, #tpu.memory_space<vmem_shared>> -> memref<1x1x256x128xf32, #tpu.memory_space<vmem_shared>>
      %dma_start3A_617 = tpu.memref_squeeze %dma_start3A_616 : memref<1x1x256x128xf32, #tpu.memory_space<vmem_shared>> -> memref<256x128xf32, #tpu.memory_space<vmem_shared>>
      %dma_start3A_618 = arith.constant 0 : i32
      %dma_start3A_619 = tpu.memref_slice %arg2[%add3A_613, %dma_start3A_618] : memref<98304x128xf32, #tpu.memory_space<hbm>> -> memref<256x128xf32, #tpu.memory_space<hbm>>
      tpu.enqueue_dma source(%dma_start3A_619 : memref<256x128xf32, #tpu.memory_space<hbm>>) target(%dma_start3A_617 : memref<256x128xf32, #tpu.memory_space<vmem_shared>>) target_semaphore(%arg15 : memref<!tpu.dma_semaphore, #tpu.memory_space<semaphore_mem>>)
    } else {
    }
    %ge3A_282 = arith.cmpi sge, %add3A_272, %mul3A_20 : i32
    %add3A_283 = arith.constant 16 : i32
    %add3A_284 = arith.addi %mul3A_20, %add3A_283 : i32
    %lt3A_285 = arith.cmpi slt, %add3A_272, %add3A_284 : i32
    %and3A_286 = arith.andi %ge3A_282, %lt3A_285 : i1
    %convert_element_type3A_287 = arith.extui %and3A_286 : i1 to i32
    %cond3A_288 = arith.constant 0 : i32
    %cond3A_289 = arith.constant 0 : i32
    %cond3A_290 = arith.cmpi ne, %convert_element_type3A_287, %cond3A_289 : i32
    scf.if %cond3A_290 {
      %sub3A = arith.subi %add3A_272, %mul3A_20 : i32
      %mul3A_612 = arith.constant 256 : i32
      %mul3A_613 = arith.muli %sub3A, %mul3A_612 : i32
      %dma_start3A_614 = arith.constant 0 : i32
      %dma_start3A_615 = arith.constant 0 : i32
      %dma_start3A_616 = tpu.memref_slice %arg11[%arg1, %cond3A_288, %dma_start3A_614, %dma_start3A_615] : memref<16x3x256x128xf32, #tpu.memory_space<vmem_shared>> -> memref<1x1x256x128xf32, #tpu.memory_space<vmem_shared>>
      %dma_start3A_617 = tpu.memref_squeeze %dma_start3A_616 : memref<1x1x256x128xf32, #tpu.memory_space<vmem_shared>> -> memref<256x128xf32, #tpu.memory_space<vmem_shared>>
      %dma_start3A_618 = arith.constant 0 : i32
      %dma_start3A_619 = tpu.memref_slice %arg6[%mul3A_613, %dma_start3A_618] : memref<4096x128xf32, #tpu.memory_space<hbm>> -> memref<256x128xf32, #tpu.memory_space<hbm>>
      tpu.enqueue_dma source(%dma_start3A_619 : memref<256x128xf32, #tpu.memory_space<hbm>>) target(%dma_start3A_617 : memref<256x128xf32, #tpu.memory_space<vmem_shared>>) target_semaphore(%arg15 : memref<!tpu.dma_semaphore, #tpu.memory_space<semaphore_mem>>)
    } else {
    }
    %dma_wait3A_291 = arith.constant 2 : i32
    %dma_wait3A_292 = arith.constant 0 : i32
    %dma_wait3A_293 = arith.constant 0 : i32
    %dma_wait3A_294 = tpu.memref_slice %arg11[%arg1, %dma_wait3A_291, %dma_wait3A_292, %dma_wait3A_293] : memref<16x3x256x128xf32, #tpu.memory_space<vmem_shared>> -> memref<1x1x256x128xf32, #tpu.memory_space<vmem_shared>>
    %dma_wait3A_295 = tpu.memref_squeeze %dma_wait3A_294 : memref<1x1x256x128xf32, #tpu.memory_space<vmem_shared>> -> memref<256x128xf32, #tpu.memory_space<vmem_shared>>
    %dma_wait3A_296 = arith.constant 0 : i32
    %dma_wait3A_297 = arith.constant 0 : i32
    %dma_wait3A_298 = tpu.memref_slice %arg6[%dma_wait3A_296, %dma_wait3A_297] : memref<4096x128xf32, #tpu.memory_space<hbm>> -> memref<256x128xf32, #tpu.memory_space<hbm>>
    tpu.wait_dma2 semaphore(%arg15 : memref<!tpu.dma_semaphore, #tpu.memory_space<semaphore_mem>>) src(%dma_wait3A_298 : memref<256x128xf32, #tpu.memory_space<hbm>>) dst(%dma_wait3A_295 : memref<256x128xf32, #tpu.memory_space<vmem_shared>>)
    %add3A_299 = arith.constant 1280 : i32
    %add3A_300 = arith.addi %mul3A_18, %add3A_299 : i32
    %dma_start3A_301 = arith.constant 2 : i32
    %dma_start3A_302 = arith.constant 0 : i32
    %dma_start3A_303 = tpu.memref_slice %arg8[%add3A_300, %dma_start3A_302] : memref<98304x128xf32, #tpu.memory_space<hbm>> -> memref<256x128xf32, #tpu.memory_space<hbm>>
    %dma_start3A_304 = arith.constant 0 : i32
    %dma_start3A_305 = arith.constant 0 : i32
    %dma_start3A_306 = tpu.memref_slice %arg11[%arg1, %dma_start3A_301, %dma_start3A_304, %dma_start3A_305] : memref<16x3x256x128xf32, #tpu.memory_space<vmem_shared>> -> memref<1x1x256x128xf32, #tpu.memory_space<vmem_shared>>
    %dma_start3A_307 = tpu.memref_squeeze %dma_start3A_306 : memref<1x1x256x128xf32, #tpu.memory_space<vmem_shared>> -> memref<256x128xf32, #tpu.memory_space<vmem_shared>>
    tpu.enqueue_dma source(%dma_start3A_307 : memref<256x128xf32, #tpu.memory_space<vmem_shared>>) target(%dma_start3A_303 : memref<256x128xf32, #tpu.memory_space<hbm>>) target_semaphore(%arg16 : memref<!tpu.dma_semaphore, #tpu.memory_space<semaphore_mem>>)
    %add3A_308 = arith.constant 1024 : i32
    %add3A_309 = arith.addi %mul3A_18, %add3A_308 : i32
    %dma_wait3A_310 = arith.constant 1 : i32
    %dma_wait3A_311 = arith.constant 0 : i32
    %dma_wait3A_312 = tpu.memref_slice %arg8[%add3A_309, %dma_wait3A_311] : memref<98304x128xf32, #tpu.memory_space<hbm>> -> memref<256x128xf32, #tpu.memory_space<hbm>>
    %dma_wait3A_313 = arith.constant 0 : i32
    %dma_wait3A_314 = arith.constant 0 : i32
    %dma_wait3A_315 = tpu.memref_slice %arg11[%arg1, %dma_wait3A_310, %dma_wait3A_313, %dma_wait3A_314] : memref<16x3x256x128xf32, #tpu.memory_space<vmem_shared>> -> memref<1x1x256x128xf32, #tpu.memory_space<vmem_shared>>
    %dma_wait3A_316 = tpu.memref_squeeze %dma_wait3A_315 : memref<1x1x256x128xf32, #tpu.memory_space<vmem_shared>> -> memref<256x128xf32, #tpu.memory_space<vmem_shared>>
    tpu.wait_dma2 semaphore(%arg16 : memref<!tpu.dma_semaphore, #tpu.memory_space<semaphore_mem>>) src(%dma_wait3A_316 : memref<256x128xf32, #tpu.memory_space<vmem_shared>>) dst(%dma_wait3A_312 : memref<256x128xf32, #tpu.memory_space<hbm>>)
    %mul3A_317 = arith.constant 12 : i32
    %mul3A_318 = arith.muli %add3A, %mul3A_317 : i32
    %add3A_319 = arith.constant 7 : i32
    %add3A_320 = arith.addi %mul3A_318, %add3A_319 : i32
    %lt3A_321 = arith.cmpi slt, %add3A_320, %mul3A_20 : i32
    %add3A_322 = arith.constant 16 : i32
    %add3A_323 = arith.addi %mul3A_20, %add3A_322 : i32
    %ge3A_324 = arith.cmpi sge, %add3A_320, %add3A_323 : i32
    %or3A_325 = arith.ori %lt3A_321, %ge3A_324 : i1
    %convert_element_type3A_326 = arith.extui %or3A_325 : i1 to i32
    %cond3A_327 = arith.constant 1 : i32
    %cond3A_328 = arith.constant 0 : i32
    %cond3A_329 = arith.cmpi ne, %convert_element_type3A_326, %cond3A_328 : i32
    scf.if %cond3A_329 {
      %add3A_612 = arith.constant 1792 : i32
      %add3A_613 = arith.addi %mul3A_18, %add3A_612 : i32
      %dma_start3A_614 = arith.constant 0 : i32
      %dma_start3A_615 = arith.constant 0 : i32
      %dma_start3A_616 = tpu.memref_slice %arg11[%arg1, %cond3A_327, %dma_start3A_614, %dma_start3A_615] : memref<16x3x256x128xf32, #tpu.memory_space<vmem_shared>> -> memref<1x1x256x128xf32, #tpu.memory_space<vmem_shared>>
      %dma_start3A_617 = tpu.memref_squeeze %dma_start3A_616 : memref<1x1x256x128xf32, #tpu.memory_space<vmem_shared>> -> memref<256x128xf32, #tpu.memory_space<vmem_shared>>
      %dma_start3A_618 = arith.constant 0 : i32
      %dma_start3A_619 = tpu.memref_slice %arg2[%add3A_613, %dma_start3A_618] : memref<98304x128xf32, #tpu.memory_space<hbm>> -> memref<256x128xf32, #tpu.memory_space<hbm>>
      tpu.enqueue_dma source(%dma_start3A_619 : memref<256x128xf32, #tpu.memory_space<hbm>>) target(%dma_start3A_617 : memref<256x128xf32, #tpu.memory_space<vmem_shared>>) target_semaphore(%arg15 : memref<!tpu.dma_semaphore, #tpu.memory_space<semaphore_mem>>)
    } else {
    }
    %ge3A_330 = arith.cmpi sge, %add3A_320, %mul3A_20 : i32
    %add3A_331 = arith.constant 16 : i32
    %add3A_332 = arith.addi %mul3A_20, %add3A_331 : i32
    %lt3A_333 = arith.cmpi slt, %add3A_320, %add3A_332 : i32
    %and3A_334 = arith.andi %ge3A_330, %lt3A_333 : i1
    %convert_element_type3A_335 = arith.extui %and3A_334 : i1 to i32
    %cond3A_336 = arith.constant 1 : i32
    %cond3A_337 = arith.constant 0 : i32
    %cond3A_338 = arith.cmpi ne, %convert_element_type3A_335, %cond3A_337 : i32
    scf.if %cond3A_338 {
      %sub3A = arith.subi %add3A_320, %mul3A_20 : i32
      %mul3A_612 = arith.constant 256 : i32
      %mul3A_613 = arith.muli %sub3A, %mul3A_612 : i32
      %dma_start3A_614 = arith.constant 0 : i32
      %dma_start3A_615 = arith.constant 0 : i32
      %dma_start3A_616 = tpu.memref_slice %arg11[%arg1, %cond3A_336, %dma_start3A_614, %dma_start3A_615] : memref<16x3x256x128xf32, #tpu.memory_space<vmem_shared>> -> memref<1x1x256x128xf32, #tpu.memory_space<vmem_shared>>
      %dma_start3A_617 = tpu.memref_squeeze %dma_start3A_616 : memref<1x1x256x128xf32, #tpu.memory_space<vmem_shared>> -> memref<256x128xf32, #tpu.memory_space<vmem_shared>>
      %dma_start3A_618 = arith.constant 0 : i32
      %dma_start3A_619 = tpu.memref_slice %arg6[%mul3A_613, %dma_start3A_618] : memref<4096x128xf32, #tpu.memory_space<hbm>> -> memref<256x128xf32, #tpu.memory_space<hbm>>
      tpu.enqueue_dma source(%dma_start3A_619 : memref<256x128xf32, #tpu.memory_space<hbm>>) target(%dma_start3A_617 : memref<256x128xf32, #tpu.memory_space<vmem_shared>>) target_semaphore(%arg15 : memref<!tpu.dma_semaphore, #tpu.memory_space<semaphore_mem>>)
    } else {
    }
    %dma_wait3A_339 = arith.constant 0 : i32
    %dma_wait3A_340 = arith.constant 0 : i32
    %dma_wait3A_341 = arith.constant 0 : i32
    %dma_wait3A_342 = tpu.memref_slice %arg11[%arg1, %dma_wait3A_339, %dma_wait3A_340, %dma_wait3A_341] : memref<16x3x256x128xf32, #tpu.memory_space<vmem_shared>> -> memref<1x1x256x128xf32, #tpu.memory_space<vmem_shared>>
    %dma_wait3A_343 = tpu.memref_squeeze %dma_wait3A_342 : memref<1x1x256x128xf32, #tpu.memory_space<vmem_shared>> -> memref<256x128xf32, #tpu.memory_space<vmem_shared>>
    %dma_wait3A_344 = arith.constant 0 : i32
    %dma_wait3A_345 = arith.constant 0 : i32
    %dma_wait3A_346 = tpu.memref_slice %arg6[%dma_wait3A_344, %dma_wait3A_345] : memref<4096x128xf32, #tpu.memory_space<hbm>> -> memref<256x128xf32, #tpu.memory_space<hbm>>
    tpu.wait_dma2 semaphore(%arg15 : memref<!tpu.dma_semaphore, #tpu.memory_space<semaphore_mem>>) src(%dma_wait3A_346 : memref<256x128xf32, #tpu.memory_space<hbm>>) dst(%dma_wait3A_343 : memref<256x128xf32, #tpu.memory_space<vmem_shared>>)
    %add3A_347 = arith.constant 1536 : i32
    %add3A_348 = arith.addi %mul3A_18, %add3A_347 : i32
    %dma_start3A_349 = arith.constant 0 : i32
    %dma_start3A_350 = arith.constant 0 : i32
    %dma_start3A_351 = tpu.memref_slice %arg8[%add3A_348, %dma_start3A_350] : memref<98304x128xf32, #tpu.memory_space<hbm>> -> memref<256x128xf32, #tpu.memory_space<hbm>>
    %dma_start3A_352 = arith.constant 0 : i32
    %dma_start3A_353 = arith.constant 0 : i32
    %dma_start3A_354 = tpu.memref_slice %arg11[%arg1, %dma_start3A_349, %dma_start3A_352, %dma_start3A_353] : memref<16x3x256x128xf32, #tpu.memory_space<vmem_shared>> -> memref<1x1x256x128xf32, #tpu.memory_space<vmem_shared>>
    %dma_start3A_355 = tpu.memref_squeeze %dma_start3A_354 : memref<1x1x256x128xf32, #tpu.memory_space<vmem_shared>> -> memref<256x128xf32, #tpu.memory_space<vmem_shared>>
    tpu.enqueue_dma source(%dma_start3A_355 : memref<256x128xf32, #tpu.memory_space<vmem_shared>>) target(%dma_start3A_351 : memref<256x128xf32, #tpu.memory_space<hbm>>) target_semaphore(%arg16 : memref<!tpu.dma_semaphore, #tpu.memory_space<semaphore_mem>>)
    %add3A_356 = arith.constant 1280 : i32
    %add3A_357 = arith.addi %mul3A_18, %add3A_356 : i32
    %dma_wait3A_358 = arith.constant 2 : i32
    %dma_wait3A_359 = arith.constant 0 : i32
    %dma_wait3A_360 = tpu.memref_slice %arg8[%add3A_357, %dma_wait3A_359] : memref<98304x128xf32, #tpu.memory_space<hbm>> -> memref<256x128xf32, #tpu.memory_space<hbm>>
    %dma_wait3A_361 = arith.constant 0 : i32
    %dma_wait3A_362 = arith.constant 0 : i32
    %dma_wait3A_363 = tpu.memref_slice %arg11[%arg1, %dma_wait3A_358, %dma_wait3A_361, %dma_wait3A_362] : memref<16x3x256x128xf32, #tpu.memory_space<vmem_shared>> -> memref<1x1x256x128xf32, #tpu.memory_space<vmem_shared>>
    %dma_wait3A_364 = tpu.memref_squeeze %dma_wait3A_363 : memref<1x1x256x128xf32, #tpu.memory_space<vmem_shared>> -> memref<256x128xf32, #tpu.memory_space<vmem_shared>>
    tpu.wait_dma2 semaphore(%arg16 : memref<!tpu.dma_semaphore, #tpu.memory_space<semaphore_mem>>) src(%dma_wait3A_364 : memref<256x128xf32, #tpu.memory_space<vmem_shared>>) dst(%dma_wait3A_360 : memref<256x128xf32, #tpu.memory_space<hbm>>)
    %mul3A_365 = arith.constant 12 : i32
    %mul3A_366 = arith.muli %add3A, %mul3A_365 : i32
    %add3A_367 = arith.constant 8 : i32
    %add3A_368 = arith.addi %mul3A_366, %add3A_367 : i32
    %lt3A_369 = arith.cmpi slt, %add3A_368, %mul3A_20 : i32
    %add3A_370 = arith.constant 16 : i32
    %add3A_371 = arith.addi %mul3A_20, %add3A_370 : i32
    %ge3A_372 = arith.cmpi sge, %add3A_368, %add3A_371 : i32
    %or3A_373 = arith.ori %lt3A_369, %ge3A_372 : i1
    %convert_element_type3A_374 = arith.extui %or3A_373 : i1 to i32
    %cond3A_375 = arith.constant 2 : i32
    %cond3A_376 = arith.constant 0 : i32
    %cond3A_377 = arith.cmpi ne, %convert_element_type3A_374, %cond3A_376 : i32
    scf.if %cond3A_377 {
      %add3A_612 = arith.constant 2048 : i32
      %add3A_613 = arith.addi %mul3A_18, %add3A_612 : i32
      %dma_start3A_614 = arith.constant 0 : i32
      %dma_start3A_615 = arith.constant 0 : i32
      %dma_start3A_616 = tpu.memref_slice %arg11[%arg1, %cond3A_375, %dma_start3A_614, %dma_start3A_615] : memref<16x3x256x128xf32, #tpu.memory_space<vmem_shared>> -> memref<1x1x256x128xf32, #tpu.memory_space<vmem_shared>>
      %dma_start3A_617 = tpu.memref_squeeze %dma_start3A_616 : memref<1x1x256x128xf32, #tpu.memory_space<vmem_shared>> -> memref<256x128xf32, #tpu.memory_space<vmem_shared>>
      %dma_start3A_618 = arith.constant 0 : i32
      %dma_start3A_619 = tpu.memref_slice %arg2[%add3A_613, %dma_start3A_618] : memref<98304x128xf32, #tpu.memory_space<hbm>> -> memref<256x128xf32, #tpu.memory_space<hbm>>
      tpu.enqueue_dma source(%dma_start3A_619 : memref<256x128xf32, #tpu.memory_space<hbm>>) target(%dma_start3A_617 : memref<256x128xf32, #tpu.memory_space<vmem_shared>>) target_semaphore(%arg15 : memref<!tpu.dma_semaphore, #tpu.memory_space<semaphore_mem>>)
    } else {
    }
    %ge3A_378 = arith.cmpi sge, %add3A_368, %mul3A_20 : i32
    %add3A_379 = arith.constant 16 : i32
    %add3A_380 = arith.addi %mul3A_20, %add3A_379 : i32
    %lt3A_381 = arith.cmpi slt, %add3A_368, %add3A_380 : i32
    %and3A_382 = arith.andi %ge3A_378, %lt3A_381 : i1
    %convert_element_type3A_383 = arith.extui %and3A_382 : i1 to i32
    %cond3A_384 = arith.constant 2 : i32
    %cond3A_385 = arith.constant 0 : i32
    %cond3A_386 = arith.cmpi ne, %convert_element_type3A_383, %cond3A_385 : i32
    scf.if %cond3A_386 {
      %sub3A = arith.subi %add3A_368, %mul3A_20 : i32
      %mul3A_612 = arith.constant 256 : i32
      %mul3A_613 = arith.muli %sub3A, %mul3A_612 : i32
      %dma_start3A_614 = arith.constant 0 : i32
      %dma_start3A_615 = arith.constant 0 : i32
      %dma_start3A_616 = tpu.memref_slice %arg11[%arg1, %cond3A_384, %dma_start3A_614, %dma_start3A_615] : memref<16x3x256x128xf32, #tpu.memory_space<vmem_shared>> -> memref<1x1x256x128xf32, #tpu.memory_space<vmem_shared>>
      %dma_start3A_617 = tpu.memref_squeeze %dma_start3A_616 : memref<1x1x256x128xf32, #tpu.memory_space<vmem_shared>> -> memref<256x128xf32, #tpu.memory_space<vmem_shared>>
      %dma_start3A_618 = arith.constant 0 : i32
      %dma_start3A_619 = tpu.memref_slice %arg6[%mul3A_613, %dma_start3A_618] : memref<4096x128xf32, #tpu.memory_space<hbm>> -> memref<256x128xf32, #tpu.memory_space<hbm>>
      tpu.enqueue_dma source(%dma_start3A_619 : memref<256x128xf32, #tpu.memory_space<hbm>>) target(%dma_start3A_617 : memref<256x128xf32, #tpu.memory_space<vmem_shared>>) target_semaphore(%arg15 : memref<!tpu.dma_semaphore, #tpu.memory_space<semaphore_mem>>)
    } else {
    }
    %dma_wait3A_387 = arith.constant 1 : i32
    %dma_wait3A_388 = arith.constant 0 : i32
    %dma_wait3A_389 = arith.constant 0 : i32
    %dma_wait3A_390 = tpu.memref_slice %arg11[%arg1, %dma_wait3A_387, %dma_wait3A_388, %dma_wait3A_389] : memref<16x3x256x128xf32, #tpu.memory_space<vmem_shared>> -> memref<1x1x256x128xf32, #tpu.memory_space<vmem_shared>>
    %dma_wait3A_391 = tpu.memref_squeeze %dma_wait3A_390 : memref<1x1x256x128xf32, #tpu.memory_space<vmem_shared>> -> memref<256x128xf32, #tpu.memory_space<vmem_shared>>
    %dma_wait3A_392 = arith.constant 0 : i32
    %dma_wait3A_393 = arith.constant 0 : i32
    %dma_wait3A_394 = tpu.memref_slice %arg6[%dma_wait3A_392, %dma_wait3A_393] : memref<4096x128xf32, #tpu.memory_space<hbm>> -> memref<256x128xf32, #tpu.memory_space<hbm>>
    tpu.wait_dma2 semaphore(%arg15 : memref<!tpu.dma_semaphore, #tpu.memory_space<semaphore_mem>>) src(%dma_wait3A_394 : memref<256x128xf32, #tpu.memory_space<hbm>>) dst(%dma_wait3A_391 : memref<256x128xf32, #tpu.memory_space<vmem_shared>>)
    %add3A_395 = arith.constant 1792 : i32
    %add3A_396 = arith.addi %mul3A_18, %add3A_395 : i32
    %dma_start3A_397 = arith.constant 1 : i32
    %dma_start3A_398 = arith.constant 0 : i32
    %dma_start3A_399 = tpu.memref_slice %arg8[%add3A_396, %dma_start3A_398] : memref<98304x128xf32, #tpu.memory_space<hbm>> -> memref<256x128xf32, #tpu.memory_space<hbm>>
    %dma_start3A_400 = arith.constant 0 : i32
    %dma_start3A_401 = arith.constant 0 : i32
    %dma_start3A_402 = tpu.memref_slice %arg11[%arg1, %dma_start3A_397, %dma_start3A_400, %dma_start3A_401] : memref<16x3x256x128xf32, #tpu.memory_space<vmem_shared>> -> memref<1x1x256x128xf32, #tpu.memory_space<vmem_shared>>
    %dma_start3A_403 = tpu.memref_squeeze %dma_start3A_402 : memref<1x1x256x128xf32, #tpu.memory_space<vmem_shared>> -> memref<256x128xf32, #tpu.memory_space<vmem_shared>>
    tpu.enqueue_dma source(%dma_start3A_403 : memref<256x128xf32, #tpu.memory_space<vmem_shared>>) target(%dma_start3A_399 : memref<256x128xf32, #tpu.memory_space<hbm>>) target_semaphore(%arg16 : memref<!tpu.dma_semaphore, #tpu.memory_space<semaphore_mem>>)
    %add3A_404 = arith.constant 1536 : i32
    %add3A_405 = arith.addi %mul3A_18, %add3A_404 : i32
    %dma_wait3A_406 = arith.constant 0 : i32
    %dma_wait3A_407 = arith.constant 0 : i32
    %dma_wait3A_408 = tpu.memref_slice %arg8[%add3A_405, %dma_wait3A_407] : memref<98304x128xf32, #tpu.memory_space<hbm>> -> memref<256x128xf32, #tpu.memory_space<hbm>>
    %dma_wait3A_409 = arith.constant 0 : i32
    %dma_wait3A_410 = arith.constant 0 : i32
    %dma_wait3A_411 = tpu.memref_slice %arg11[%arg1, %dma_wait3A_406, %dma_wait3A_409, %dma_wait3A_410] : memref<16x3x256x128xf32, #tpu.memory_space<vmem_shared>> -> memref<1x1x256x128xf32, #tpu.memory_space<vmem_shared>>
    %dma_wait3A_412 = tpu.memref_squeeze %dma_wait3A_411 : memref<1x1x256x128xf32, #tpu.memory_space<vmem_shared>> -> memref<256x128xf32, #tpu.memory_space<vmem_shared>>
    tpu.wait_dma2 semaphore(%arg16 : memref<!tpu.dma_semaphore, #tpu.memory_space<semaphore_mem>>) src(%dma_wait3A_412 : memref<256x128xf32, #tpu.memory_space<vmem_shared>>) dst(%dma_wait3A_408 : memref<256x128xf32, #tpu.memory_space<hbm>>)
    %mul3A_413 = arith.constant 12 : i32
    %mul3A_414 = arith.muli %add3A, %mul3A_413 : i32
    %add3A_415 = arith.constant 9 : i32
    %add3A_416 = arith.addi %mul3A_414, %add3A_415 : i32
    %lt3A_417 = arith.cmpi slt, %add3A_416, %mul3A_20 : i32
    %add3A_418 = arith.constant 16 : i32
    %add3A_419 = arith.addi %mul3A_20, %add3A_418 : i32
    %ge3A_420 = arith.cmpi sge, %add3A_416, %add3A_419 : i32
    %or3A_421 = arith.ori %lt3A_417, %ge3A_420 : i1
    %convert_element_type3A_422 = arith.extui %or3A_421 : i1 to i32
    %cond3A_423 = arith.constant 0 : i32
    %cond3A_424 = arith.constant 0 : i32
    %cond3A_425 = arith.cmpi ne, %convert_element_type3A_422, %cond3A_424 : i32
    scf.if %cond3A_425 {
      %add3A_612 = arith.constant 2304 : i32
      %add3A_613 = arith.addi %mul3A_18, %add3A_612 : i32
      %dma_start3A_614 = arith.constant 0 : i32
      %dma_start3A_615 = arith.constant 0 : i32
      %dma_start3A_616 = tpu.memref_slice %arg11[%arg1, %cond3A_423, %dma_start3A_614, %dma_start3A_615] : memref<16x3x256x128xf32, #tpu.memory_space<vmem_shared>> -> memref<1x1x256x128xf32, #tpu.memory_space<vmem_shared>>
      %dma_start3A_617 = tpu.memref_squeeze %dma_start3A_616 : memref<1x1x256x128xf32, #tpu.memory_space<vmem_shared>> -> memref<256x128xf32, #tpu.memory_space<vmem_shared>>
      %dma_start3A_618 = arith.constant 0 : i32
      %dma_start3A_619 = tpu.memref_slice %arg2[%add3A_613, %dma_start3A_618] : memref<98304x128xf32, #tpu.memory_space<hbm>> -> memref<256x128xf32, #tpu.memory_space<hbm>>
      tpu.enqueue_dma source(%dma_start3A_619 : memref<256x128xf32, #tpu.memory_space<hbm>>) target(%dma_start3A_617 : memref<256x128xf32, #tpu.memory_space<vmem_shared>>) target_semaphore(%arg15 : memref<!tpu.dma_semaphore, #tpu.memory_space<semaphore_mem>>)
    } else {
    }
    %ge3A_426 = arith.cmpi sge, %add3A_416, %mul3A_20 : i32
    %add3A_427 = arith.constant 16 : i32
    %add3A_428 = arith.addi %mul3A_20, %add3A_427 : i32
    %lt3A_429 = arith.cmpi slt, %add3A_416, %add3A_428 : i32
    %and3A_430 = arith.andi %ge3A_426, %lt3A_429 : i1
    %convert_element_type3A_431 = arith.extui %and3A_430 : i1 to i32
    %cond3A_432 = arith.constant 0 : i32
    %cond3A_433 = arith.constant 0 : i32
    %cond3A_434 = arith.cmpi ne, %convert_element_type3A_431, %cond3A_433 : i32
    scf.if %cond3A_434 {
      %sub3A = arith.subi %add3A_416, %mul3A_20 : i32
      %mul3A_612 = arith.constant 256 : i32
      %mul3A_613 = arith.muli %sub3A, %mul3A_612 : i32
      %dma_start3A_614 = arith.constant 0 : i32
      %dma_start3A_615 = arith.constant 0 : i32
      %dma_start3A_616 = tpu.memref_slice %arg11[%arg1, %cond3A_432, %dma_start3A_614, %dma_start3A_615] : memref<16x3x256x128xf32, #tpu.memory_space<vmem_shared>> -> memref<1x1x256x128xf32, #tpu.memory_space<vmem_shared>>
      %dma_start3A_617 = tpu.memref_squeeze %dma_start3A_616 : memref<1x1x256x128xf32, #tpu.memory_space<vmem_shared>> -> memref<256x128xf32, #tpu.memory_space<vmem_shared>>
      %dma_start3A_618 = arith.constant 0 : i32
      %dma_start3A_619 = tpu.memref_slice %arg6[%mul3A_613, %dma_start3A_618] : memref<4096x128xf32, #tpu.memory_space<hbm>> -> memref<256x128xf32, #tpu.memory_space<hbm>>
      tpu.enqueue_dma source(%dma_start3A_619 : memref<256x128xf32, #tpu.memory_space<hbm>>) target(%dma_start3A_617 : memref<256x128xf32, #tpu.memory_space<vmem_shared>>) target_semaphore(%arg15 : memref<!tpu.dma_semaphore, #tpu.memory_space<semaphore_mem>>)
    } else {
    }
    %dma_wait3A_435 = arith.constant 2 : i32
    %dma_wait3A_436 = arith.constant 0 : i32
    %dma_wait3A_437 = arith.constant 0 : i32
    %dma_wait3A_438 = tpu.memref_slice %arg11[%arg1, %dma_wait3A_435, %dma_wait3A_436, %dma_wait3A_437] : memref<16x3x256x128xf32, #tpu.memory_space<vmem_shared>> -> memref<1x1x256x128xf32, #tpu.memory_space<vmem_shared>>
    %dma_wait3A_439 = tpu.memref_squeeze %dma_wait3A_438 : memref<1x1x256x128xf32, #tpu.memory_space<vmem_shared>> -> memref<256x128xf32, #tpu.memory_space<vmem_shared>>
    %dma_wait3A_440 = arith.constant 0 : i32
    %dma_wait3A_441 = arith.constant 0 : i32
    %dma_wait3A_442 = tpu.memref_slice %arg6[%dma_wait3A_440, %dma_wait3A_441] : memref<4096x128xf32, #tpu.memory_space<hbm>> -> memref<256x128xf32, #tpu.memory_space<hbm>>
    tpu.wait_dma2 semaphore(%arg15 : memref<!tpu.dma_semaphore, #tpu.memory_space<semaphore_mem>>) src(%dma_wait3A_442 : memref<256x128xf32, #tpu.memory_space<hbm>>) dst(%dma_wait3A_439 : memref<256x128xf32, #tpu.memory_space<vmem_shared>>)
    %add3A_443 = arith.constant 2048 : i32
    %add3A_444 = arith.addi %mul3A_18, %add3A_443 : i32
    %dma_start3A_445 = arith.constant 2 : i32
    %dma_start3A_446 = arith.constant 0 : i32
    %dma_start3A_447 = tpu.memref_slice %arg8[%add3A_444, %dma_start3A_446] : memref<98304x128xf32, #tpu.memory_space<hbm>> -> memref<256x128xf32, #tpu.memory_space<hbm>>
    %dma_start3A_448 = arith.constant 0 : i32
    %dma_start3A_449 = arith.constant 0 : i32
    %dma_start3A_450 = tpu.memref_slice %arg11[%arg1, %dma_start3A_445, %dma_start3A_448, %dma_start3A_449] : memref<16x3x256x128xf32, #tpu.memory_space<vmem_shared>> -> memref<1x1x256x128xf32, #tpu.memory_space<vmem_shared>>
    %dma_start3A_451 = tpu.memref_squeeze %dma_start3A_450 : memref<1x1x256x128xf32, #tpu.memory_space<vmem_shared>> -> memref<256x128xf32, #tpu.memory_space<vmem_shared>>
    tpu.enqueue_dma source(%dma_start3A_451 : memref<256x128xf32, #tpu.memory_space<vmem_shared>>) target(%dma_start3A_447 : memref<256x128xf32, #tpu.memory_space<hbm>>) target_semaphore(%arg16 : memref<!tpu.dma_semaphore, #tpu.memory_space<semaphore_mem>>)
    %add3A_452 = arith.constant 1792 : i32
    %add3A_453 = arith.addi %mul3A_18, %add3A_452 : i32
    %dma_wait3A_454 = arith.constant 1 : i32
    %dma_wait3A_455 = arith.constant 0 : i32
    %dma_wait3A_456 = tpu.memref_slice %arg8[%add3A_453, %dma_wait3A_455] : memref<98304x128xf32, #tpu.memory_space<hbm>> -> memref<256x128xf32, #tpu.memory_space<hbm>>
    %dma_wait3A_457 = arith.constant 0 : i32
    %dma_wait3A_458 = arith.constant 0 : i32
    %dma_wait3A_459 = tpu.memref_slice %arg11[%arg1, %dma_wait3A_454, %dma_wait3A_457, %dma_wait3A_458] : memref<16x3x256x128xf32, #tpu.memory_space<vmem_shared>> -> memref<1x1x256x128xf32, #tpu.memory_space<vmem_shared>>
    %dma_wait3A_460 = tpu.memref_squeeze %dma_wait3A_459 : memref<1x1x256x128xf32, #tpu.memory_space<vmem_shared>> -> memref<256x128xf32, #tpu.memory_space<vmem_shared>>
    tpu.wait_dma2 semaphore(%arg16 : memref<!tpu.dma_semaphore, #tpu.memory_space<semaphore_mem>>) src(%dma_wait3A_460 : memref<256x128xf32, #tpu.memory_space<vmem_shared>>) dst(%dma_wait3A_456 : memref<256x128xf32, #tpu.memory_space<hbm>>)
    %mul3A_461 = arith.constant 12 : i32
    %mul3A_462 = arith.muli %add3A, %mul3A_461 : i32
    %add3A_463 = arith.constant 10 : i32
    %add3A_464 = arith.addi %mul3A_462, %add3A_463 : i32
    %lt3A_465 = arith.cmpi slt, %add3A_464, %mul3A_20 : i32
    %add3A_466 = arith.constant 16 : i32
    %add3A_467 = arith.addi %mul3A_20, %add3A_466 : i32
    %ge3A_468 = arith.cmpi sge, %add3A_464, %add3A_467 : i32
    %or3A_469 = arith.ori %lt3A_465, %ge3A_468 : i1
    %convert_element_type3A_470 = arith.extui %or3A_469 : i1 to i32
    %cond3A_471 = arith.constant 1 : i32
    %cond3A_472 = arith.constant 0 : i32
    %cond3A_473 = arith.cmpi ne, %convert_element_type3A_470, %cond3A_472 : i32
    scf.if %cond3A_473 {
      %add3A_612 = arith.constant 2560 : i32
      %add3A_613 = arith.addi %mul3A_18, %add3A_612 : i32
      %dma_start3A_614 = arith.constant 0 : i32
      %dma_start3A_615 = arith.constant 0 : i32
      %dma_start3A_616 = tpu.memref_slice %arg11[%arg1, %cond3A_471, %dma_start3A_614, %dma_start3A_615] : memref<16x3x256x128xf32, #tpu.memory_space<vmem_shared>> -> memref<1x1x256x128xf32, #tpu.memory_space<vmem_shared>>
      %dma_start3A_617 = tpu.memref_squeeze %dma_start3A_616 : memref<1x1x256x128xf32, #tpu.memory_space<vmem_shared>> -> memref<256x128xf32, #tpu.memory_space<vmem_shared>>
      %dma_start3A_618 = arith.constant 0 : i32
      %dma_start3A_619 = tpu.memref_slice %arg2[%add3A_613, %dma_start3A_618] : memref<98304x128xf32, #tpu.memory_space<hbm>> -> memref<256x128xf32, #tpu.memory_space<hbm>>
      tpu.enqueue_dma source(%dma_start3A_619 : memref<256x128xf32, #tpu.memory_space<hbm>>) target(%dma_start3A_617 : memref<256x128xf32, #tpu.memory_space<vmem_shared>>) target_semaphore(%arg15 : memref<!tpu.dma_semaphore, #tpu.memory_space<semaphore_mem>>)
    } else {
    }
    %ge3A_474 = arith.cmpi sge, %add3A_464, %mul3A_20 : i32
    %add3A_475 = arith.constant 16 : i32
    %add3A_476 = arith.addi %mul3A_20, %add3A_475 : i32
    %lt3A_477 = arith.cmpi slt, %add3A_464, %add3A_476 : i32
    %and3A_478 = arith.andi %ge3A_474, %lt3A_477 : i1
    %convert_element_type3A_479 = arith.extui %and3A_478 : i1 to i32
    %cond3A_480 = arith.constant 1 : i32
    %cond3A_481 = arith.constant 0 : i32
    %cond3A_482 = arith.cmpi ne, %convert_element_type3A_479, %cond3A_481 : i32
    scf.if %cond3A_482 {
      %sub3A = arith.subi %add3A_464, %mul3A_20 : i32
      %mul3A_612 = arith.constant 256 : i32
      %mul3A_613 = arith.muli %sub3A, %mul3A_612 : i32
      %dma_start3A_614 = arith.constant 0 : i32
      %dma_start3A_615 = arith.constant 0 : i32
      %dma_start3A_616 = tpu.memref_slice %arg11[%arg1, %cond3A_480, %dma_start3A_614, %dma_start3A_615] : memref<16x3x256x128xf32, #tpu.memory_space<vmem_shared>> -> memref<1x1x256x128xf32, #tpu.memory_space<vmem_shared>>
      %dma_start3A_617 = tpu.memref_squeeze %dma_start3A_616 : memref<1x1x256x128xf32, #tpu.memory_space<vmem_shared>> -> memref<256x128xf32, #tpu.memory_space<vmem_shared>>
      %dma_start3A_618 = arith.constant 0 : i32
      %dma_start3A_619 = tpu.memref_slice %arg6[%mul3A_613, %dma_start3A_618] : memref<4096x128xf32, #tpu.memory_space<hbm>> -> memref<256x128xf32, #tpu.memory_space<hbm>>
      tpu.enqueue_dma source(%dma_start3A_619 : memref<256x128xf32, #tpu.memory_space<hbm>>) target(%dma_start3A_617 : memref<256x128xf32, #tpu.memory_space<vmem_shared>>) target_semaphore(%arg15 : memref<!tpu.dma_semaphore, #tpu.memory_space<semaphore_mem>>)
    } else {
    }
    %dma_wait3A_483 = arith.constant 0 : i32
    %dma_wait3A_484 = arith.constant 0 : i32
    %dma_wait3A_485 = arith.constant 0 : i32
    %dma_wait3A_486 = tpu.memref_slice %arg11[%arg1, %dma_wait3A_483, %dma_wait3A_484, %dma_wait3A_485] : memref<16x3x256x128xf32, #tpu.memory_space<vmem_shared>> -> memref<1x1x256x128xf32, #tpu.memory_space<vmem_shared>>
    %dma_wait3A_487 = tpu.memref_squeeze %dma_wait3A_486 : memref<1x1x256x128xf32, #tpu.memory_space<vmem_shared>> -> memref<256x128xf32, #tpu.memory_space<vmem_shared>>
    %dma_wait3A_488 = arith.constant 0 : i32
    %dma_wait3A_489 = arith.constant 0 : i32
    %dma_wait3A_490 = tpu.memref_slice %arg6[%dma_wait3A_488, %dma_wait3A_489] : memref<4096x128xf32, #tpu.memory_space<hbm>> -> memref<256x128xf32, #tpu.memory_space<hbm>>
    tpu.wait_dma2 semaphore(%arg15 : memref<!tpu.dma_semaphore, #tpu.memory_space<semaphore_mem>>) src(%dma_wait3A_490 : memref<256x128xf32, #tpu.memory_space<hbm>>) dst(%dma_wait3A_487 : memref<256x128xf32, #tpu.memory_space<vmem_shared>>)
    %add3A_491 = arith.constant 2304 : i32
    %add3A_492 = arith.addi %mul3A_18, %add3A_491 : i32
    %dma_start3A_493 = arith.constant 0 : i32
    %dma_start3A_494 = arith.constant 0 : i32
    %dma_start3A_495 = tpu.memref_slice %arg8[%add3A_492, %dma_start3A_494] : memref<98304x128xf32, #tpu.memory_space<hbm>> -> memref<256x128xf32, #tpu.memory_space<hbm>>
    %dma_start3A_496 = arith.constant 0 : i32
    %dma_start3A_497 = arith.constant 0 : i32
    %dma_start3A_498 = tpu.memref_slice %arg11[%arg1, %dma_start3A_493, %dma_start3A_496, %dma_start3A_497] : memref<16x3x256x128xf32, #tpu.memory_space<vmem_shared>> -> memref<1x1x256x128xf32, #tpu.memory_space<vmem_shared>>
    %dma_start3A_499 = tpu.memref_squeeze %dma_start3A_498 : memref<1x1x256x128xf32, #tpu.memory_space<vmem_shared>> -> memref<256x128xf32, #tpu.memory_space<vmem_shared>>
    tpu.enqueue_dma source(%dma_start3A_499 : memref<256x128xf32, #tpu.memory_space<vmem_shared>>) target(%dma_start3A_495 : memref<256x128xf32, #tpu.memory_space<hbm>>) target_semaphore(%arg16 : memref<!tpu.dma_semaphore, #tpu.memory_space<semaphore_mem>>)
    %add3A_500 = arith.constant 2048 : i32
    %add3A_501 = arith.addi %mul3A_18, %add3A_500 : i32
    %dma_wait3A_502 = arith.constant 2 : i32
    %dma_wait3A_503 = arith.constant 0 : i32
    %dma_wait3A_504 = tpu.memref_slice %arg8[%add3A_501, %dma_wait3A_503] : memref<98304x128xf32, #tpu.memory_space<hbm>> -> memref<256x128xf32, #tpu.memory_space<hbm>>
    %dma_wait3A_505 = arith.constant 0 : i32
    %dma_wait3A_506 = arith.constant 0 : i32
    %dma_wait3A_507 = tpu.memref_slice %arg11[%arg1, %dma_wait3A_502, %dma_wait3A_505, %dma_wait3A_506] : memref<16x3x256x128xf32, #tpu.memory_space<vmem_shared>> -> memref<1x1x256x128xf32, #tpu.memory_space<vmem_shared>>
    %dma_wait3A_508 = tpu.memref_squeeze %dma_wait3A_507 : memref<1x1x256x128xf32, #tpu.memory_space<vmem_shared>> -> memref<256x128xf32, #tpu.memory_space<vmem_shared>>
    tpu.wait_dma2 semaphore(%arg16 : memref<!tpu.dma_semaphore, #tpu.memory_space<semaphore_mem>>) src(%dma_wait3A_508 : memref<256x128xf32, #tpu.memory_space<vmem_shared>>) dst(%dma_wait3A_504 : memref<256x128xf32, #tpu.memory_space<hbm>>)
    %mul3A_509 = arith.constant 12 : i32
    %mul3A_510 = arith.muli %add3A, %mul3A_509 : i32
    %add3A_511 = arith.constant 11 : i32
    %add3A_512 = arith.addi %mul3A_510, %add3A_511 : i32
    %lt3A_513 = arith.cmpi slt, %add3A_512, %mul3A_20 : i32
    %add3A_514 = arith.constant 16 : i32
    %add3A_515 = arith.addi %mul3A_20, %add3A_514 : i32
    %ge3A_516 = arith.cmpi sge, %add3A_512, %add3A_515 : i32
    %or3A_517 = arith.ori %lt3A_513, %ge3A_516 : i1
    %convert_element_type3A_518 = arith.extui %or3A_517 : i1 to i32
    %cond3A_519 = arith.constant 2 : i32
    %cond3A_520 = arith.constant 0 : i32
    %cond3A_521 = arith.cmpi ne, %convert_element_type3A_518, %cond3A_520 : i32
    scf.if %cond3A_521 {
      %add3A_612 = arith.constant 2816 : i32
      %add3A_613 = arith.addi %mul3A_18, %add3A_612 : i32
      %dma_start3A_614 = arith.constant 0 : i32
      %dma_start3A_615 = arith.constant 0 : i32
      %dma_start3A_616 = tpu.memref_slice %arg11[%arg1, %cond3A_519, %dma_start3A_614, %dma_start3A_615] : memref<16x3x256x128xf32, #tpu.memory_space<vmem_shared>> -> memref<1x1x256x128xf32, #tpu.memory_space<vmem_shared>>
      %dma_start3A_617 = tpu.memref_squeeze %dma_start3A_616 : memref<1x1x256x128xf32, #tpu.memory_space<vmem_shared>> -> memref<256x128xf32, #tpu.memory_space<vmem_shared>>
      %dma_start3A_618 = arith.constant 0 : i32
      %dma_start3A_619 = tpu.memref_slice %arg2[%add3A_613, %dma_start3A_618] : memref<98304x128xf32, #tpu.memory_space<hbm>> -> memref<256x128xf32, #tpu.memory_space<hbm>>
      tpu.enqueue_dma source(%dma_start3A_619 : memref<256x128xf32, #tpu.memory_space<hbm>>) target(%dma_start3A_617 : memref<256x128xf32, #tpu.memory_space<vmem_shared>>) target_semaphore(%arg15 : memref<!tpu.dma_semaphore, #tpu.memory_space<semaphore_mem>>)
    } else {
    }
    %ge3A_522 = arith.cmpi sge, %add3A_512, %mul3A_20 : i32
    %add3A_523 = arith.constant 16 : i32
    %add3A_524 = arith.addi %mul3A_20, %add3A_523 : i32
    %lt3A_525 = arith.cmpi slt, %add3A_512, %add3A_524 : i32
    %and3A_526 = arith.andi %ge3A_522, %lt3A_525 : i1
    %convert_element_type3A_527 = arith.extui %and3A_526 : i1 to i32
    %cond3A_528 = arith.constant 2 : i32
    %cond3A_529 = arith.constant 0 : i32
    %cond3A_530 = arith.cmpi ne, %convert_element_type3A_527, %cond3A_529 : i32
    scf.if %cond3A_530 {
      %sub3A = arith.subi %add3A_512, %mul3A_20 : i32
      %mul3A_612 = arith.constant 256 : i32
      %mul3A_613 = arith.muli %sub3A, %mul3A_612 : i32
      %dma_start3A_614 = arith.constant 0 : i32
      %dma_start3A_615 = arith.constant 0 : i32
      %dma_start3A_616 = tpu.memref_slice %arg11[%arg1, %cond3A_528, %dma_start3A_614, %dma_start3A_615] : memref<16x3x256x128xf32, #tpu.memory_space<vmem_shared>> -> memref<1x1x256x128xf32, #tpu.memory_space<vmem_shared>>
      %dma_start3A_617 = tpu.memref_squeeze %dma_start3A_616 : memref<1x1x256x128xf32, #tpu.memory_space<vmem_shared>> -> memref<256x128xf32, #tpu.memory_space<vmem_shared>>
      %dma_start3A_618 = arith.constant 0 : i32
      %dma_start3A_619 = tpu.memref_slice %arg6[%mul3A_613, %dma_start3A_618] : memref<4096x128xf32, #tpu.memory_space<hbm>> -> memref<256x128xf32, #tpu.memory_space<hbm>>
      tpu.enqueue_dma source(%dma_start3A_619 : memref<256x128xf32, #tpu.memory_space<hbm>>) target(%dma_start3A_617 : memref<256x128xf32, #tpu.memory_space<vmem_shared>>) target_semaphore(%arg15 : memref<!tpu.dma_semaphore, #tpu.memory_space<semaphore_mem>>)
    } else {
    }
    %dma_wait3A_531 = arith.constant 1 : i32
    %dma_wait3A_532 = arith.constant 0 : i32
    %dma_wait3A_533 = arith.constant 0 : i32
    %dma_wait3A_534 = tpu.memref_slice %arg11[%arg1, %dma_wait3A_531, %dma_wait3A_532, %dma_wait3A_533] : memref<16x3x256x128xf32, #tpu.memory_space<vmem_shared>> -> memref<1x1x256x128xf32, #tpu.memory_space<vmem_shared>>
    %dma_wait3A_535 = tpu.memref_squeeze %dma_wait3A_534 : memref<1x1x256x128xf32, #tpu.memory_space<vmem_shared>> -> memref<256x128xf32, #tpu.memory_space<vmem_shared>>
    %dma_wait3A_536 = arith.constant 0 : i32
    %dma_wait3A_537 = arith.constant 0 : i32
    %dma_wait3A_538 = tpu.memref_slice %arg6[%dma_wait3A_536, %dma_wait3A_537] : memref<4096x128xf32, #tpu.memory_space<hbm>> -> memref<256x128xf32, #tpu.memory_space<hbm>>
    tpu.wait_dma2 semaphore(%arg15 : memref<!tpu.dma_semaphore, #tpu.memory_space<semaphore_mem>>) src(%dma_wait3A_538 : memref<256x128xf32, #tpu.memory_space<hbm>>) dst(%dma_wait3A_535 : memref<256x128xf32, #tpu.memory_space<vmem_shared>>)
    %add3A_539 = arith.constant 2560 : i32
    %add3A_540 = arith.addi %mul3A_18, %add3A_539 : i32
    %dma_start3A_541 = arith.constant 1 : i32
    %dma_start3A_542 = arith.constant 0 : i32
    %dma_start3A_543 = tpu.memref_slice %arg8[%add3A_540, %dma_start3A_542] : memref<98304x128xf32, #tpu.memory_space<hbm>> -> memref<256x128xf32, #tpu.memory_space<hbm>>
    %dma_start3A_544 = arith.constant 0 : i32
    %dma_start3A_545 = arith.constant 0 : i32
    %dma_start3A_546 = tpu.memref_slice %arg11[%arg1, %dma_start3A_541, %dma_start3A_544, %dma_start3A_545] : memref<16x3x256x128xf32, #tpu.memory_space<vmem_shared>> -> memref<1x1x256x128xf32, #tpu.memory_space<vmem_shared>>
    %dma_start3A_547 = tpu.memref_squeeze %dma_start3A_546 : memref<1x1x256x128xf32, #tpu.memory_space<vmem_shared>> -> memref<256x128xf32, #tpu.memory_space<vmem_shared>>
    tpu.enqueue_dma source(%dma_start3A_547 : memref<256x128xf32, #tpu.memory_space<vmem_shared>>) target(%dma_start3A_543 : memref<256x128xf32, #tpu.memory_space<hbm>>) target_semaphore(%arg16 : memref<!tpu.dma_semaphore, #tpu.memory_space<semaphore_mem>>)
    %add3A_548 = arith.constant 2304 : i32
    %add3A_549 = arith.addi %mul3A_18, %add3A_548 : i32
    %dma_wait3A_550 = arith.constant 0 : i32
    %dma_wait3A_551 = arith.constant 0 : i32
    %dma_wait3A_552 = tpu.memref_slice %arg8[%add3A_549, %dma_wait3A_551] : memref<98304x128xf32, #tpu.memory_space<hbm>> -> memref<256x128xf32, #tpu.memory_space<hbm>>
    %dma_wait3A_553 = arith.constant 0 : i32
    %dma_wait3A_554 = arith.constant 0 : i32
    %dma_wait3A_555 = tpu.memref_slice %arg11[%arg1, %dma_wait3A_550, %dma_wait3A_553, %dma_wait3A_554] : memref<16x3x256x128xf32, #tpu.memory_space<vmem_shared>> -> memref<1x1x256x128xf32, #tpu.memory_space<vmem_shared>>
    %dma_wait3A_556 = tpu.memref_squeeze %dma_wait3A_555 : memref<1x1x256x128xf32, #tpu.memory_space<vmem_shared>> -> memref<256x128xf32, #tpu.memory_space<vmem_shared>>
    tpu.wait_dma2 semaphore(%arg16 : memref<!tpu.dma_semaphore, #tpu.memory_space<semaphore_mem>>) src(%dma_wait3A_556 : memref<256x128xf32, #tpu.memory_space<vmem_shared>>) dst(%dma_wait3A_552 : memref<256x128xf32, #tpu.memory_space<hbm>>)
    %dma_wait3A_557 = arith.constant 2 : i32
    %dma_wait3A_558 = arith.constant 0 : i32
    %dma_wait3A_559 = arith.constant 0 : i32
    %dma_wait3A_560 = tpu.memref_slice %arg11[%arg1, %dma_wait3A_557, %dma_wait3A_558, %dma_wait3A_559] : memref<16x3x256x128xf32, #tpu.memory_space<vmem_shared>> -> memref<1x1x256x128xf32, #tpu.memory_space<vmem_shared>>
    %dma_wait3A_561 = tpu.memref_squeeze %dma_wait3A_560 : memref<1x1x256x128xf32, #tpu.memory_space<vmem_shared>> -> memref<256x128xf32, #tpu.memory_space<vmem_shared>>
    %dma_wait3A_562 = arith.constant 0 : i32
    %dma_wait3A_563 = arith.constant 0 : i32
    %dma_wait3A_564 = tpu.memref_slice %arg6[%dma_wait3A_562, %dma_wait3A_563] : memref<4096x128xf32, #tpu.memory_space<hbm>> -> memref<256x128xf32, #tpu.memory_space<hbm>>
    tpu.wait_dma2 semaphore(%arg15 : memref<!tpu.dma_semaphore, #tpu.memory_space<semaphore_mem>>) src(%dma_wait3A_564 : memref<256x128xf32, #tpu.memory_space<hbm>>) dst(%dma_wait3A_561 : memref<256x128xf32, #tpu.memory_space<vmem_shared>>)
    %add3A_565 = arith.constant 2816 : i32
    %add3A_566 = arith.addi %mul3A_18, %add3A_565 : i32
    %dma_start3A_567 = arith.constant 2 : i32
    %dma_start3A_568 = arith.constant 0 : i32
    %dma_start3A_569 = tpu.memref_slice %arg8[%add3A_566, %dma_start3A_568] : memref<98304x128xf32, #tpu.memory_space<hbm>> -> memref<256x128xf32, #tpu.memory_space<hbm>>
    %dma_start3A_570 = arith.constant 0 : i32
    %dma_start3A_571 = arith.constant 0 : i32
    %dma_start3A_572 = tpu.memref_slice %arg11[%arg1, %dma_start3A_567, %dma_start3A_570, %dma_start3A_571] : memref<16x3x256x128xf32, #tpu.memory_space<vmem_shared>> -> memref<1x1x256x128xf32, #tpu.memory_space<vmem_shared>>
    %dma_start3A_573 = tpu.memref_squeeze %dma_start3A_572 : memref<1x1x256x128xf32, #tpu.memory_space<vmem_shared>> -> memref<256x128xf32, #tpu.memory_space<vmem_shared>>
    tpu.enqueue_dma source(%dma_start3A_573 : memref<256x128xf32, #tpu.memory_space<vmem_shared>>) target(%dma_start3A_569 : memref<256x128xf32, #tpu.memory_space<hbm>>) target_semaphore(%arg16 : memref<!tpu.dma_semaphore, #tpu.memory_space<semaphore_mem>>)
    %add3A_574 = arith.constant 2560 : i32
    %add3A_575 = arith.addi %mul3A_18, %add3A_574 : i32
    %dma_wait3A_576 = arith.constant 1 : i32
    %dma_wait3A_577 = arith.constant 0 : i32
    %dma_wait3A_578 = tpu.memref_slice %arg8[%add3A_575, %dma_wait3A_577] : memref<98304x128xf32, #tpu.memory_space<hbm>> -> memref<256x128xf32, #tpu.memory_space<hbm>>
    %dma_wait3A_579 = arith.constant 0 : i32
    %dma_wait3A_580 = arith.constant 0 : i32
    %dma_wait3A_581 = tpu.memref_slice %arg11[%arg1, %dma_wait3A_576, %dma_wait3A_579, %dma_wait3A_580] : memref<16x3x256x128xf32, #tpu.memory_space<vmem_shared>> -> memref<1x1x256x128xf32, #tpu.memory_space<vmem_shared>>
    %dma_wait3A_582 = tpu.memref_squeeze %dma_wait3A_581 : memref<1x1x256x128xf32, #tpu.memory_space<vmem_shared>> -> memref<256x128xf32, #tpu.memory_space<vmem_shared>>
    tpu.wait_dma2 semaphore(%arg16 : memref<!tpu.dma_semaphore, #tpu.memory_space<semaphore_mem>>) src(%dma_wait3A_582 : memref<256x128xf32, #tpu.memory_space<vmem_shared>>) dst(%dma_wait3A_578 : memref<256x128xf32, #tpu.memory_space<hbm>>)
    %add3A_583 = arith.constant 2816 : i32
    %add3A_584 = arith.addi %mul3A_18, %add3A_583 : i32
    %dma_wait3A_585 = arith.constant 2 : i32
    %dma_wait3A_586 = arith.constant 0 : i32
    %dma_wait3A_587 = tpu.memref_slice %arg8[%add3A_584, %dma_wait3A_586] : memref<98304x128xf32, #tpu.memory_space<hbm>> -> memref<256x128xf32, #tpu.memory_space<hbm>>
    %dma_wait3A_588 = arith.constant 0 : i32
    %dma_wait3A_589 = arith.constant 0 : i32
    %dma_wait3A_590 = tpu.memref_slice %arg11[%arg1, %dma_wait3A_585, %dma_wait3A_588, %dma_wait3A_589] : memref<16x3x256x128xf32, #tpu.memory_space<vmem_shared>> -> memref<1x1x256x128xf32, #tpu.memory_space<vmem_shared>>
    %dma_wait3A_591 = tpu.memref_squeeze %dma_wait3A_590 : memref<1x1x256x128xf32, #tpu.memory_space<vmem_shared>> -> memref<256x128xf32, #tpu.memory_space<vmem_shared>>
    tpu.wait_dma2 semaphore(%arg16 : memref<!tpu.dma_semaphore, #tpu.memory_space<semaphore_mem>>) src(%dma_wait3A_591 : memref<256x128xf32, #tpu.memory_space<vmem_shared>>) dst(%dma_wait3A_587 : memref<256x128xf32, #tpu.memory_space<hbm>>)
    %lt3A_592 = arith.constant 24 : i32
    %lt3A_593 = arith.cmpi slt, %add3A, %lt3A_592 : i32
    %convert_element_type3A_594 = arith.extui %lt3A_593 : i1 to i32
    %cond3A_595 = arith.constant 0 : i32
    %cond3A_596 = arith.cmpi ne, %convert_element_type3A_594, %cond3A_595 : i32
    scf.if %cond3A_596 {
      tpu.wait_dma2 semaphore(%arg17 : memref<!tpu.dma_semaphore, #tpu.memory_space<semaphore_mem>>) src(%arg5 : memref<4096xi32, #tpu.memory_space<hbm>>) dst(%arg12 : memref<4096xi32, #tpu.memory_space<vmem>>)
      %mul3A_612 = arith.constant 4096 : i32
      %mul3A_613 = arith.muli %add3A, %mul3A_612 : i32
      %dma_start3A_614 = tpu.memref_slice %arg9[%mul3A_613] : memref<98304xi32, #tpu.memory_space<hbm>> -> memref<4096xi32, #tpu.memory_space<hbm>>
      %dma_start3A_615 = tpu.memref_slice %arg9[%mul3A_613] : memref<98304xi32, #tpu.memory_space<hbm>> -> memref<4096xi32, #tpu.memory_space<hbm>>
      tpu.enqueue_dma source(%arg12 : memref<4096xi32, #tpu.memory_space<vmem>>) target(%dma_start3A_615 : memref<4096xi32, #tpu.memory_space<hbm>>) target_semaphore(%arg17 : memref<!tpu.dma_semaphore, #tpu.memory_space<semaphore_mem>>)
    } else {
    }
    %lt3A_597 = arith.constant 16 : i32
    %lt3A_598 = arith.cmpi slt, %add3A, %lt3A_597 : i32
    %convert_element_type3A_599 = arith.extui %lt3A_598 : i1 to i32
    %cond3A_600 = arith.constant 0 : i32
    %cond3A_601 = arith.cmpi ne, %convert_element_type3A_599, %cond3A_600 : i32
    scf.if %cond3A_601 {
      tpu.wait_dma2 semaphore(%arg18 : memref<!tpu.dma_semaphore, #tpu.memory_space<semaphore_mem>>) src(%arg5 : memref<4096xi32, #tpu.memory_space<hbm>>) dst(%arg13 : memref<4096xi32, #tpu.memory_space<vmem>>)
      %mul3A_612 = arith.constant 4096 : i32
      %mul3A_613 = arith.muli %add3A, %mul3A_612 : i32
      %dma_start3A_614 = tpu.memref_slice %arg10[%mul3A_613] : memref<65536xi32, #tpu.memory_space<hbm>> -> memref<4096xi32, #tpu.memory_space<hbm>>
      %dma_start3A_615 = tpu.memref_slice %arg10[%mul3A_613] : memref<65536xi32, #tpu.memory_space<hbm>> -> memref<4096xi32, #tpu.memory_space<hbm>>
      tpu.enqueue_dma source(%arg13 : memref<4096xi32, #tpu.memory_space<vmem>>) target(%dma_start3A_615 : memref<4096xi32, #tpu.memory_space<hbm>>) target_semaphore(%arg18 : memref<!tpu.dma_semaphore, #tpu.memory_space<semaphore_mem>>)
    } else {
    }
    %lt3A_602 = arith.constant 24 : i32
    %lt3A_603 = arith.cmpi slt, %add3A, %lt3A_602 : i32
    %convert_element_type3A_604 = arith.extui %lt3A_603 : i1 to i32
    %cond3A_605 = arith.constant 0 : i32
    %cond3A_606 = arith.cmpi ne, %convert_element_type3A_604, %cond3A_605 : i32
    scf.if %cond3A_606 {
      %mul3A_612 = arith.constant 4096 : i32
      %mul3A_613 = arith.muli %add3A, %mul3A_612 : i32
      %dma_wait3A_614 = tpu.memref_slice %arg9[%mul3A_613] : memref<98304xi32, #tpu.memory_space<hbm>> -> memref<4096xi32, #tpu.memory_space<hbm>>
      tpu.wait_dma2 semaphore(%arg17 : memref<!tpu.dma_semaphore, #tpu.memory_space<semaphore_mem>>) src(%arg5 : memref<4096xi32, #tpu.memory_space<hbm>>) dst(%dma_wait3A_614 : memref<4096xi32, #tpu.memory_space<hbm>>)
    } else {
    }
    %lt3A_607 = arith.constant 16 : i32
    %lt3A_608 = arith.cmpi slt, %add3A, %lt3A_607 : i32
    %convert_element_type3A_609 = arith.extui %lt3A_608 : i1 to i32
    %cond3A_610 = arith.constant 0 : i32
    %cond3A_611 = arith.cmpi ne, %convert_element_type3A_609, %cond3A_610 : i32
    scf.if %cond3A_611 {
      %mul3A_612 = arith.constant 4096 : i32
      %mul3A_613 = arith.muli %add3A, %mul3A_612 : i32
      %dma_wait3A_614 = tpu.memref_slice %arg10[%mul3A_613] : memref<65536xi32, #tpu.memory_space<hbm>> -> memref<4096xi32, #tpu.memory_space<hbm>>
      tpu.wait_dma2 semaphore(%arg18 : memref<!tpu.dma_semaphore, #tpu.memory_space<semaphore_mem>>) src(%arg5 : memref<4096xi32, #tpu.memory_space<hbm>>) dst(%dma_wait3A_614 : memref<4096xi32, #tpu.memory_space<hbm>>)
    } else {
    }
    return
  }
}

module attributes {stable_mosaic.version = 14 : i64} {
  func.func @_tc_body(%arg0: i32, %arg1: memref<1xi32, #tpu.memory_space<smem>>, %arg2: memref<8192x128xf32, #tpu.memory_space<vmem>>, %arg3: memref<1x4096x128xf32, #tpu.memory_space<vmem>>, %arg4: memref<8192x128xf32, #tpu.memory_space<vmem>>) attributes {dimension_semantics = [#tpu.dimension_semantics<arbitrary>], iteration_bounds = array<i64: 16>, scalar_prefetch = 1 : i64, scratch_operands = 0 : i64, tpu.core_type = #tpu.core_type<tc>, window_params = [{transform_indices = @transform_0, window_bounds = array<i64: 8192, 128>}, {transform_indices = @transform_1, window_bounds = array<i64: 1, 4096, 128>}, {transform_indices = @transform_2, window_bounds = array<i64: 8192, 128>}]} {
    %get3A = arith.constant 0 : index
    %get3A_0 = memref.load %arg1[%get3A] : memref<1xi32, #tpu.memory_space<smem>>
    %rem3A = arith.constant 16 : i32
    %rem3A_1 = arith.remsi %get3A_0, %rem3A : i32
    %rem3A_2 = arith.constant 8 : i32
    %rem3A_3 = arith.remsi %arg0, %rem3A_2 : i32
    %jit3A = arith.constant 2 : i32
    %div3A = arith.divsi %rem3A_1, %jit3A : i32
    %sign3A = arith.constant 0 : i32
    %sign3A_4 = arith.cmpi sgt, %rem3A_1, %sign3A : i32
    %sign3A_5 = arith.extui %sign3A_4 : i1 to i32
    %sign3A_6 = arith.constant 0 : i32
    %sign3A_7 = arith.cmpi slt, %rem3A_1, %sign3A_6 : i32
    %sign3A_8 = arith.extui %sign3A_7 : i1 to i32
    %sign3A_9 = arith.subi %sign3A_5, %sign3A_8 : i32
    %sign3A_10 = arith.constant 0 : i32
    %sign3A_11 = arith.cmpi sgt, %jit3A, %sign3A_10 : i32
    %sign3A_12 = arith.extui %sign3A_11 : i1 to i32
    %sign3A_13 = arith.constant 0 : i32
    %sign3A_14 = arith.cmpi slt, %jit3A, %sign3A_13 : i32
    %sign3A_15 = arith.extui %sign3A_14 : i1 to i32
    %sign3A_16 = arith.subi %sign3A_12, %sign3A_15 : i32
    %ne3A = arith.cmpi ne, %sign3A_9, %sign3A_16 : i32
    %rem3A_17 = arith.remsi %rem3A_1, %jit3A : i32
    %ne3A_18 = arith.constant 0 : i32
    %ne3A_19 = arith.cmpi ne, %rem3A_17, %ne3A_18 : i32
    %and3A = arith.andi %ne3A, %ne3A_19 : i1
    %sub3A = arith.constant 1 : i32
    %sub3A_20 = arith.subi %div3A, %sub3A : i32
    %select_n3A = arith.select %and3A, %sub3A_20, %div3A : i32
    %rem3A_21 = arith.constant 2 : i32
    %rem3A_22 = arith.remsi %rem3A_1, %rem3A_21 : i32
    %mul3A = arith.constant 4096 : i32
    %mul3A_23 = arith.muli %rem3A_22, %mul3A : i32
    %get3A_24 = arith.constant 0 : index
    %get3A_25 = arith.constant 0 : index
    %get3A_26 = vector.load %arg2[%get3A_24, %get3A_25] : memref<8192x128xf32, #tpu.memory_space<vmem>>, vector<8192x128xf32>
    %swap3A = arith.constant 0 : index
    %swap3A_27 = arith.constant 0 : index
    %swap3A_28 = vector.load %arg4[%swap3A, %swap3A_27] : memref<8192x128xf32, #tpu.memory_space<vmem>>, vector<8192x128xf32>
    tpu.vector_store %arg4[%swap3A, %swap3A_27], %get3A_26 {strides = array<i32>} : memref<8192x128xf32, #tpu.memory_space<vmem>>, vector<8192x128xf32>,
    %eq3A = arith.cmpi eq, %rem3A_3, %select_n3A : i32
    %convert_element_type3A = arith.extui %eq3A : i1 to i32
    %cond3A = arith.constant 0 : i32
    %cond3A_29 = arith.cmpi ne, %convert_element_type3A, %cond3A : i32
    scf.if %cond3A_29 {
      %get3A_30 = arith.constant 0 : index
      %get3A_31 = arith.constant 0 : index
      %get3A_32 = arith.constant 0 : index
      %get3A_33 = vector.load %arg3[%get3A_30, %get3A_31, %get3A_32] : memref<1x4096x128xf32, #tpu.memory_space<vmem>>, vector<1x4096x128xf32>
      %get3A_34 = vector.shape_cast %get3A_33 : vector<1x4096x128xf32> to vector<4096x128xf32>
      %swap3A_35 = arith.index_cast %mul3A_23 : i32 to index
      %swap3A_36 = arith.constant 0 : index
      %swap3A_37 = vector.load %arg4[%swap3A_35, %swap3A_36] : memref<8192x128xf32, #tpu.memory_space<vmem>>, vector<4096x128xf32>
      tpu.vector_store %arg4[%swap3A_35, %swap3A_36], %get3A_34 {strides = array<i32>} : memref<8192x128xf32, #tpu.memory_space<vmem>>, vector<4096x128xf32>,
    } else {
    }
    return
  }
  func.func @transform_0(%arg0: i32, %arg1: memref<1xi32, #tpu.memory_space<smem>>) -> (i32, i32) {
    %c0_i32 = arith.constant 0 : i32
    %c0_i32_0 = arith.constant 0 : i32
    return %arg0, %c0_i32 : i32, i32
  }
  func.func @transform_1(%arg0: i32, %arg1: memref<1xi32, #tpu.memory_space<smem>>) -> (i32, i32, i32) {
    %jit3A = arith.constant 8 : i32
    %div3A = arith.divsi %arg0, %jit3A : i32
    %sign3A = arith.constant 0 : i32
    %sign3A_0 = arith.cmpi sgt, %arg0, %sign3A : i32
    %sign3A_1 = arith.extui %sign3A_0 : i1 to i32
    %sign3A_2 = arith.constant 0 : i32
    %sign3A_3 = arith.cmpi slt, %arg0, %sign3A_2 : i32
    %sign3A_4 = arith.extui %sign3A_3 : i1 to i32
    %sign3A_5 = arith.subi %sign3A_1, %sign3A_4 : i32
    %sign3A_6 = arith.constant 0 : i32
    %sign3A_7 = arith.cmpi sgt, %jit3A, %sign3A_6 : i32
    %sign3A_8 = arith.extui %sign3A_7 : i1 to i32
    %sign3A_9 = arith.constant 0 : i32
    %sign3A_10 = arith.cmpi slt, %jit3A, %sign3A_9 : i32
    %sign3A_11 = arith.extui %sign3A_10 : i1 to i32
    %sign3A_12 = arith.subi %sign3A_8, %sign3A_11 : i32
    %ne3A = arith.cmpi ne, %sign3A_5, %sign3A_12 : i32
    %rem3A = arith.remsi %arg0, %jit3A : i32
    %ne3A_13 = arith.constant 0 : i32
    %ne3A_14 = arith.cmpi ne, %rem3A, %ne3A_13 : i32
    %and3A = arith.andi %ne3A, %ne3A_14 : i1
    %sub3A = arith.constant 1 : i32
    %sub3A_15 = arith.subi %div3A, %sub3A : i32
    %select_n3A = arith.select %and3A, %sub3A_15, %div3A : i32
    %c0_i32 = arith.constant 0 : i32
    %c0_i32_16 = arith.constant 0 : i32
    %c0_i32_17 = arith.constant 0 : i32
    return %select_n3A, %c0_i32, %c0_i32_16 : i32, i32, i32
  }
  func.func @transform_2(%arg0: i32, %arg1: memref<1xi32, #tpu.memory_space<smem>>) -> (i32, i32) {
    %c0_i32 = arith.constant 0 : i32
    %c0_i32_0 = arith.constant 0 : i32
    return %arg0, %c0_i32 : i32, i32
  }
}

</mosaic_0001>

<sc_bundles>
// kernel: kernel.4.cloned.1.call-start
scs
__scs_entry_jumppad:
0x0: {  	(pc) =	sbr.rel $0x88, $3  }
0x1: {  	(tag) =	ssettag $0x0;
	lr =	simm.s32 $0x1  }
0x2: {  	[smem:$0x3F99] =	sst lr;
	_ =	strace $0xD0000000  }
0x3: {  	_ = 	snop  }
0x4: {  	_ = 	snop  }
0x5: {  	_ = 	snop  }
0x6: {  	_ = 	snop  }
0x7: {  	_ = 	snop  }
__scs_overlays_trampoline_lowered:
0x8: {  	[smem:$0x3FA8] =	sst s0  }
0x9: {  	[smem:$0x3FA9] =	sst s1  }
0xa: {  	[smem:$0x3FAA] =	sst s2  }
0xb: {  	[smem:$0x3FAB] =	sst s3  }
0xc: {  	[smem:$0x3FAC] =	sst s4  }
0xd: {  	[smem:$0x3FAD] =	sst s5  }
0xe: {  	[smem:$0x3FAE] =	sst s6  }
0xf: {  	[smem:$0x3FAF] =	sst s7  }
0x10: {  	[smem:$0x3FB0] =	sst s8  }
0x11: {  	[smem:$0x3FB1] =	sst s9;
	s0 =	simm.s32 @!p0 $0x0  }
0x12: {  	s1 =	sld [smem:$0x3F97];
	s0 =	simm.s32 @p0 $0x1  }
0x13: {  	[smem:$0x3FB2] =	sst s0;
	s0 =	simm.s32 @!p1 $0x0  }
0x14: {  	s2 =	sld [smem:$0x3F96];
	s0 =	simm.s32 @p1 $0x1  }
0x15: {  	[smem:$0x3FB3] =	sst s0;
	s0 =	simm.s32 @!p2 $0x0  }
0x16: {  	s3 =	sld [smem:$0x3FDB];
	s0 =	simm.s32 @p2 $0x1  }
0x17: {  	s4 =	simm.s32 $0x1BF5;
	[smem:$0x3FB5] =	sst s0  }
0x18: {  	s0 =	sld [smem:$0x3F98];
	_ =	swait.ge [sflag:s4], $0x0  }
0x19: {  	s7 =	sld [smem:$0x3F99]  }
0x1a: {  	s8 =	sadd.s32 $0xFFFFE003, lr  }
0x1b: {  	s9 =	sadd.s32 $0xFFFFFEF7, lr;
	s5 =	simm.s32 $0xFFFFFFFF;
	p2 =	slt.u32 s8, $0xFFFFF086  }
0x1c: {  	p1 =	slt.u32 s9, $0xF7A;
	s5 =	simm.s32 @!p2 $0x0  }
0x1d: {  	s5 =	simm.s32 @p1 $0x1;
	p0 =	seq.s32 s7, s2  }
0x1e: {  	s7 =	smul.u32 @!p0 $0xF7A, s2;
	p2 =	seq.s32 @!p0 s5, $0x0  }
0x1f: {  	s9 =	smul.u32 $0xF7A, s1;
	s8 =	simm.s32 @!p0 $0x1BF5;
	p2 =	por !p2, p0  }
0x20: {  	[sflag:s8] =	ssyncset.s32 @!p0 $0xFFFFF086;
	s6 =	sadd.s32 @!p0 s3, s7;
	s7 =	simm.s32 @!p0 $0x108  }
0x21: {  	s3 =	sadd.s32 s3, s9;
	s6 =	sadd.s32 @!p0 $0x88, s6;
	s7 =	simm.s32 @p2 $0x1082  }
0x22: {  	[simem:s7], [sflag:s8] =	dma.local @!p0 [hbm:s6], $0xF7A  }
0x23: {  	s9 =	sor.u32 $0xD0000000, s2;
	s6 =	simm.s32 $0x108;
	_ =	swait.ge @!p0 [sflag:s8], $0x0  }
0x24: {  	s3 =	sadd.s32 $0x88, s3;
	s6 =	simm.s32 @!p1 $0x1082;
	[sflag:s4] =	ssyncset.s32 $0xFFFFF086  }
0x25: {  	[simem:s6], [sflag:s4] =	dma.local [hbm:s3], $0xF7A  }
0x26: {  	[smem:$0x3F99] =	sst s1;
	(tag) =	ssettag s2;
	_ =	strace s9  }
0x27: {  	s1 =	sld [smem:$0x3FA9]  }
0x28: {  	s2 =	sld [smem:$0x3FAA]  }
0x29: {  	s4 =	sld [smem:$0x3FAC]  }
0x2a: {  	p0 =	seq.s32 s5, $0x0;
	s5 =	sld [smem:$0x3FAD]  }
0x2b: {  	s6 =	sld [smem:$0x3FAE]  }
0x2c: {  	s7 =	sld [smem:$0x3FAF]  }
0x2d: {  	s3 =	simm.s32 $0x108;
	s8 =	sld [smem:$0x3FB0]  }
0x2e: {  	s3 =	simm.s32 @!p0 $0x1082;
	s9 =	sld [smem:$0x3FB1]  }
0x2f: {  	lr =	sadd.s32 s0, s3;
	s0 =	sld [smem:$0x3FA8]  }
0x30: {  	s3 =	sld [smem:$0x3FAB]  }
0x31: {  	[smem:$0x3FB4] =	sst s10  }
0x32: {  	s10 =	sld [smem:$0x3FB2];
	_ =	sdelay $0x3  }
0x33: {  	p0 =	seq.s32 s10, $0x1;
	s10 =	sld [smem:$0x3FB4];
	_ =	sdelay $0x3  }
0x34: {  	[smem:$0x3FB4] =	sst s10  }
0x35: {  	s10 =	sld [smem:$0x3FB3];
	_ =	sdelay $0x3  }
0x36: {  	p1 =	seq.s32 s10, $0x1;
	s10 =	sld [smem:$0x3FB4];
	_ =	sdelay $0x3  }
0x37: {  	[smem:$0x3FB4] =	sst s10  }
0x38: {  	s10 =	sld [smem:$0x3FB5]  }
0x39: {  	_ = 	snop;
	(pc) =	sbr.ind lr, $3  }
0x3a: {  	_ = 	snop  }
0x3b: {  	_ = 	snop  }
0x3c: {  	p2 =	seq.s32 s10, $0x1;
	s10 =	sld [smem:$0x3FB4]  }
0x3d: {  	_ =	shalt  }
0x3e: {  	_ =	shalt  }
0x3f: {  	_ =	shalt  }
0x40: {  	_ =	shalt  }
0x41: {  	_ =	shalt  }
0x42: {  	_ =	shalt  }
0x43: {  	_ =	shalt  }
0x44: {  	_ =	shalt  }
0x45: {  	_ =	shalt  }
0x46: {  	_ =	shalt  }
0x47: {  	_ =	shalt  }
0x48: {  	_ =	shalt  }
0x49: {  	_ =	shalt  }
0x4a: {  	_ =	shalt  }
0x4b: {  	_ =	shalt  }
0x4c: {  	_ =	shalt  }
0x4d: {  	_ =	shalt  }
0x4e: {  	_ =	shalt  }
0x4f: {  	_ =	shalt  }
0x50: {  	_ =	shalt  }
0x51: {  	_ =	shalt  }
0x52: {  	_ =	shalt  }
0x53: {  	_ =	shalt  }
0x54: {  	_ =	shalt  }
0x55: {  	_ =	shalt  }
0x56: {  	_ =	shalt  }
0x57: {  	_ =	shalt  }
0x58: {  	_ =	shalt  }
0x59: {  	_ =	shalt  }
0x5a: {  	_ =	shalt  }
0x5b: {  	_ =	shalt  }
0x5c: {  	_ =	shalt  }
0x5d: {  	_ =	shalt  }
0x5e: {  	_ =	shalt  }
0x5f: {  	_ =	shalt  }
0x60: {  	_ =	shalt  }
0x61: {  	_ =	shalt  }
0x62: {  	_ =	shalt  }
0x63: {  	_ =	shalt  }
0x64: {  	_ =	shalt  }
0x65: {  	_ =	shalt  }
0x66: {  	_ =	shalt  }
0x67: {  	_ =	shalt  }
0x68: {  	_ =	shalt  }
0x69: {  	_ =	shalt  }
0x6a: {  	_ =	shalt  }
0x6b: {  	_ =	shalt  }
0x6c: {  	_ =	shalt  }
0x6d: {  	_ =	shalt  }
0x6e: {  	_ =	shalt  }
0x6f: {  	_ =	shalt  }
0x70: {  	_ =	shalt  }
0x71: {  	_ =	shalt  }
0x72: {  	_ =	shalt  }
0x73: {  	_ =	shalt  }
0x74: {  	_ =	shalt  }
0x75: {  	_ =	shalt  }
0x76: {  	_ =	shalt  }
0x77: {  	_ =	shalt  }
0x78: {  	_ =	shalt  }
0x79: {  	_ =	shalt  }
0x7a: {  	_ =	shalt  }
0x7b: {  	_ =	shalt  }
0x7c: {  	_ =	shalt  }
0x7d: {  	_ =	shalt  }
0x7e: {  	_ =	shalt  }
0x7f: {  	_ =	shalt  }
0x80: {  	_ =	shalt  }
0x81: {  	_ =	shalt  }
0x82: {  	_ =	shalt  }
0x83: {  	_ =	shalt  }
0x84: {  	_ =	shalt  }
0x85: {  	_ =	shalt  }
0x86: {  	_ =	shalt  }
0x87: {  	_ =	shalt  }
.Lfunc_end0:
.L_simem_size_0:
called_computation_lowered:
.L_overlay_start_0:
0x88: {  	s2 =	sld [smem:$0x3FD9]  }
0x89: {  	s3 =	sld [smem:$0x3FFE];
	_ =	sdelay $0x1  }
0x8a: {  	s1 =	srdreg.scid  }
0x8b: {  	s0 =	sand.u32 $0x1, s1  }
0x8c: {  	s14 =	sshll.u32 s0, $0xA;
	s2 =	sadd.s32 s3, s2  }
0x8d: {  	s2 =	sadd.s32 s2, s14  }
0x8e: {  	[smem:$0x3FC0] =	sst s2  }
0x8f: {  	_ = 	snop  }
0x90: {  	s2 =	sld [smem:$0x3FC9]  }
0x91: {  	s15 =	sld [smem:$0x3FC8]  }
0x92: {  	s4 =	sld [smem:$0x3FD0]  }
0x93: {  	s5 =	sld [smem:$0x3FC7]  }
0x94: {  	s6 =	sld [smem:$0x3FC5]  }
0x95: {  	s8 =	simm.s32 $0xA;
	s9 =	simm.s32 $0x10;
	s7 =	sld [smem:$0x3FC4]  }
0x96: {  	[smem:s9], [sflag:s8] =	dma.local [hbm:s4], $0x1  }
0x97: {  	_ =	swait.eq [sflag:s8], $0x1  }
0x98: {  	s16 =	sld [smem:$0x10];
	[sflag:s8] =	ssyncset.done $0x0  }
0x99: {  	s17 =	sld [smem:$0x11];
	[sflag:s8] =	ssyncadd.s32 $0xFFFFFFFF  }
0x9a: {  	s18 =	sld [smem:$0x12];
	(tm) =	ssettm $0x1  }
0x9b: {  	s10 =	sld [smem:$0x3FFB];
	_ =	sdelay $0x3  }
0x9c: {  	_ =	strace s10  }
0x9d: {  	s10 =	sld [smem:$0x3FFC];
	_ =	sdelay $0x3  }
0x9e: {  	_ =	strace s10  }
0x9f: {  	s10 =	sld [smem:$0x3FFD];
	_ =	sdelay $0x3  }
0xa0: {  	_ =	strace s10  }
0xa1: {  	_ =	strace $0x8FFFFFFF  }
0xa2: {  	s19 =	sld [smem:$0x3FDB];
	_ =	sdelay $0x1  }
0xa3: {  	s11 =	simm.s32 $_scs_section_size  }
0xa4: {  	s12 =	simm.s32 $_size__tile_overlayer_lowered;
	s13 =	simm.s32 $_tile_overlayer_lowered  }
0xa5: {  	s22 =	simm.s32 $0x1BFF;
	s21 =	sshll.u32 s13, $0x1;
	s10 =	sadd.s32 s11, s19  }
0xa6: {  	s20 =	sshll.u32 s12, $0x1;
	s14 =	simm.s32 $0x0;
	s12 =	sadd.s32 s21, s10  }
0xa7: {  	[timem:s14], [sflag:s22] =	dma.local [hbm:s12], s20  }
0xa8: {  	_ =	swait.ge [sflag:s22], s20  }
0xa9: {  	s11 =	ssub.s32 $0x0, s20;
	[sflag:s22] =	ssyncset.done $0x0  }
0xaa: {  	[sflag:s22] =	ssyncadd.s32 s11;
	_ =	sdelay $0x1  }
0xab: {  	s23 =	simm.s32 $0x1B8B  }
0xac: {  	_ =	swait.ge [sflag:s23], $0x1  }
0xad: {  	[sflag:s23] =	ssyncset.done $0x0  }
0xae: {  	s25 =	simm.s32 $0x1B8E;
	s24 =	sld [smem:$0x3FFE];
	[sflag:s23] =	ssyncadd.s32 $0xFFFFFFFF  }
0xaf: {  	s26 =	simm.s32 $execute0_lowered;
	[smem:$0x3FD2] =	sst s25  }
0xb0: {  	s12 =	sshll.u32 s26, $0x1;
	_ =	strace $0x80000046;
	[dreg:$0x1] =	wrdreg $0xFFFFFFFF  }
0xb1: {  	s28 =	simm.s32 $_size_execute0_lowered;
	s10 =	sadd.s32 s10, s12;
	[dreg:$0x0] =	wrdreg $0x0  }
0xb2: {  	s12 =	sshll.u32 s28, $0x1;
	[dreg:$0x2] =	wrdreg s10  }
0xb3: {  	[dreg:$0x3] =	wrdreg s12  }
0xb4: {  	[dreg:$0x4] =	wrdreg $0xC0  }
0xb5: {  	_ =	task [dreg:s14], $0x5FFFF  }
0xb6: {  	[dreg:$0x1] =	wrdreg $0xFFFFFFFF  }
0xb7: {  	[dreg:$0x0] =	wrdreg $0x60  }
0xb8: {  	[dreg:$0x2] =	wrdreg s15  }
0xb9: {  	[dreg:$0x3] =	wrdreg s2  }
0xba: {  	[dreg:$0x4] =	wrdreg s5  }
0xbb: {  	[dreg:$0x5] =	wrdreg s6  }
0xbc: {  	[dreg:$0x6] =	wrdreg s7  }
0xbd: {  	[dreg:$0x7] =	wrdreg s24  }
0xbe: {  	[dreg:$0x8] =	wrdreg s17  }
0xbf: {  	[dreg:$0x9] =	wrdreg s16  }
0xc0: {  	[dreg:$0xa] =	wrdreg s18  }
0xc1: {  	[dreg:$0xb] =	wrdreg $0x0  }
0xc2: {  	[dreg:$0xc] =	wrdreg $0x9  }
0xc3: {  	_ =	task.clear_ibuf [dreg:s14], $0xDFFFF;
	_ =	strace $0x90000046  }
0xc4: {  	s29 =	simm.s32 $0x9;
	_ =	strace $0x80000048  }
0xc5: {  	_ =	swait.ge [sflag:s29], $0x1  }
0xc6: {  	[sflag:s29] =	ssyncadd.s32 $0xFFFFFFFF  }
0xc7: {  	_ =	strace $0x90000048  }
0xc8: {  	_ =	sfence  }
0xc9: {  	s30 =	sld [smem:$0x0];
	_ =	sdelay $0x2  }
0xca: {  	s31 =	sshll.u32 s1, $0xD;
	s1 =	sshrl.u32 s1, $0x2  }
0xcb: {  	s3 =	sand.u32 $0x4000, s31;
	s1 =	sadd.s32 s1, s30  }
0xcc: {  	s0 =	sor.u32 s3, s0;
	s1 =	sshll.u32 s1, $0x11  }
0xcd: {  	s0 =	sor.u32 s1, s0  }
0xce: {  	s0 =	sadd.s32 $0x8F2B, s0  }
0xcf: {  	[sflag:s0] =	ssyncadd.remote.s32 $0x1  }
0xd0: {  	_ =	sfence.sel $0xFFFF  }
0xd1: {  	[dreg:$0x0] =	wrdreg $0xFFFFFFFF;
	(pc) =	sbr.abs _section_cstart, $3  }
0xd2: {  	[dreg:$0x1] =	wrdreg $0xFFFFFFFF  }
0xd3: {  	_ =	task.clear_ibuf [dreg:s14], $0x2FFFF;
	_ =	strace $0x9FFFFFFF  }
0xd4: {  	(tm) =	ssettm $0x7FFFFFFF  }
0xd5: {  	_ =	shalt  }
tec
execute0_lowered:
.L_overlay_start_1:
0x0: {  	(tag) =	ssettag $0x1  }
0x1: {  	s1 =	rddreg [dreg:$0x0]  }
0x2: {  	s3 =	rddreg [dreg:$0x1]  }
0x3: {  	s2 =	srdreg.scid;
	s0 =	stileid.u32  }
0x4: {  	s5 =	rddreg [dreg:$0x2];
	s4 =	sand.u32 $0x1, s2;
	s24 =	sshll.u32 s0, $0x1  }
0x5: {  	s6 =	rddreg [dreg:$0x6];
	s7 =	smul.u32 $0x60000, s0;
	s2 =	sor.u32 s4, s24  }
0x6: {  	s8 =	rddreg [dreg:$0x9];
	s15 =	simm.s32 $0x0;
	s11 =	smul.u32 $0x60000, s2  }
0x7: {  	[smem:$0x7FF] =	sst s15;
	s4 =	ssub.s32 $0x2, s4;
	s9 =	smul.u32 $0xC000, s2  }
0x8: {  	s10 =	sshrl.u32 s4, $0x1;
	s25 =	sshrl.u32 s7, $0x2;
	s7 =	sshrl.u32 s11, $0x3  }
0x9: {  	s10 =	ssub.s32 s4, s10;
	s4 =	sadd.s32 s25, s8;
	s26 =	sadd.s32 $0x4000, s7  }
0xa: {  	s31 =	sadd.s32 $0x5000, s7;
	s21 =	sadd.s32 $0x8000, s7;
	s12 =	sadd.s32 s1, s26  }
0xb: {  	s22 =	sadd.s32 s1, s21;
	s25 =	sadd.s32 s6, s21;
	s21 =	rddreg [dreg:$0x4]  }
0xc: {  	s13 =	sadd.s32 s1, s9;
	s14 =	sadd.s32 s1, s31;
	[dreg:$0xd] =	wrdreg s12  }
0xd: {  	s17 =	sadd.s32 $0x6000, s7;
	s8 =	sadd.s32 s6, s26;
	[dreg:$0xe] =	wrdreg s14  }
0xe: {  	s16 =	sadd.s32 s6, s9;
	s18 =	sadd.s32 s1, s17;
	[dreg:$0xf] =	wrdreg s8  }
0xf: {  	s19 =	sadd.s32 $0x7000, s7;
	s9 =	sadd.s32 s6, s31;
	[dreg:$0x10] =	wrdreg s18  }
0x10: {  	s20 =	sadd.s32 s1, s19;
	[dreg:$0x11] =	wrdreg s9  }
0x11: {  	s11 =	sadd.s32 s6, s17;
	[dreg:$0x12] =	wrdreg s20  }
0x12: {  	s23 =	sadd.s32 $0x9000, s7;
	[dreg:$0x13] =	wrdreg s11  }
0x13: {  	s24 =	sadd.s32 s1, s23;
	[dreg:$0x14] =	wrdreg s22  }
0x14: {  	[dreg:$0x16] =	wrdreg s24  }
0x15: {  	s31 =	sadd.s32 s6, s23;
	[dreg:$0x17] =	wrdreg s25  }
0x16: {  	p0 =	sgt.u32 s0, $0xB;
	[dreg:$0x18] =	wrdreg s31  }
0x17: {  	p1 =	sgt.u32 @!p0 s0, $0x7;
	s14 =	rddreg [dreg:$0x5]  }
0x18: {  	s30 =	smul.u32 $0xC, s2;
	p2 =	por p1, p0;
	s18 =	rddreg [dreg:$0x7]  }
0x19: {  	s26 =	sadd.s32 $0xA000, s7;
	s8 =	sadd.s32 s6, s19;
	s19 =	rddreg [dreg:$0x8]  }
0x1a: {  	s7 =	sadd.s32 $0xB000, s7;
	s11 =	sadd.s32 s1, s26;
	[dreg:$0x15] =	wrdreg s8  }
0x1b: {  	p3 =	por !p1, p0;
	s1 =	sadd.s32 s1, s7;
	[dreg:$0x19] =	wrdreg s11  }
0x1c: {  	s28 =	sadd.s32 $0x5, s30;
	s12 =	sadd.s32 s6, s26;
	[dreg:$0x1a] =	wrdreg s1  }
0x1d: {  	s17 =	sshll.u32 s2, $0x9;
	s6 =	sadd.s32 s6, s7;
	[dreg:$0x1b] =	wrdreg s12  }
0x1e: {  	s29 =	sadd.s32 $0x6, s30;
	s3 =	sadd.s32 s3, s17;
	[dreg:$0x1c] =	wrdreg s6  }
0x1f: {  	s23 =	sadd.s32 $0x1000, s16;
	s5 =	sadd.s32 s5, s17;
	[dreg:$0x1d] =	wrdreg s3  }
0x20: {  	s25 =	smax.u32 s10, $0x1;
	[dreg:$0x1e] =	wrdreg s5;
	s3 =	sadd.s32 s18, s17  }
0x21: {  	s7 =	sor.u32 $0x1, s30;
	[dreg:$0x1f] =	wrdreg s3;
	s3 =	sadd.s32 s19, s17  }
0x22: {  	s20 =	sadd.s32 $0x1000, s13;
	s1 =	sadd.s32 $0xC00, s14;
	[smem:$0x7F6] =	sst s3  }
0x23: {  	s22 =	sadd.s32 $0x2000, s13;
	_ =	strace $0x80000047;
	[smem:$0x7F7] =	sst s1  }
0x24: {  	s24 =	sadd.s32 $0x3000, s13;
	s26 =	sadd.s32 $0x2000, s16;
	[smem:$0x7F8] =	sst s20  }
0x25: {  	s10 =	sadd.s32 $0x4, s30;
	s31 =	sadd.s32 $0x3000, s16;
	[smem:$0x7F9] =	sst s22  }
0x26: {  	s9 =	sadd.s32 $0x9, s30;
	s8 =	sadd.s32 $0x8000, s4;
	[smem:$0x7FA] =	sst s23  }
.Ltmp0:
0x27: {  	s12 =	sor.u32 $0x2, s30;
	[dreg:$0xb] =	wrdreg s13;
	(pc) =	sbr.rel .LBB2_1-.Ltmp0, $4  }
0x28: {  	s14 =	sadd.s32 $0x10000, s4;
	s11 =	sadd.s32 $0xA, s30;
	[smem:$0x7FB] =	sst s24  }
0x29: {  	s18 =	simm.s32 $0x2;
	s17 =	simm.s32 $0x1;
	[smem:$0x7FC] =	sst s26  }
0x2a: {  	s3 =	sadd.s32 $0x8, s30;
	s20 =	sor.u32 $0x3, s30;
	[dreg:$0xc] =	wrdreg s16  }
0x2b: {  	[smem:$0x7FD] =	sst s31;
	s1 =	sadd.s32 $0x7, s30;
	s13 =	sadd.s32 $0xB, s30  }
.LBB2_4:
0x2c: {  	s6 =	simm.s32 $0x4  }
0x2d: {  	_ =	swait.ge [sflag:s6], $0x1000  }
0x2e: {  	s5 =	sld [smem:$0x7F6]  }
0x2f: {  	[sflag:s6] =	ssyncset.done $0x0  }
0x30: {  	s16 =	simm.s32 $0x19000;
	s31 =	simm.s32 $0x3;
	[sflag:s6] =	ssyncadd.s32 $0xFFFFF000  }
0x31: {  	[hbm4b:s5+s15] =	stream.linear.scatter [tilespmem:s16], [sflag:$0x4], $0x1000, $0x38;
	[tilespmem:$0x1A080] =	vst v63  }
0x32: {  	_ =	swait.ge [sflag:s31], $0x200  }
0x33: {  	[sflag:s31] =	ssyncset.done $0x0  }
0x34: {  	[sflag:s31] =	ssyncadd.s32 $0xFFFFFE00  }
.LBB2_5:
0x35: {  	_ =	swait.ge [sflag:s6], $0x200  }
0x36: {  	[sflag:s6] =	ssyncset.done $0x0  }
0x37: {  	[sflag:s6] =	ssyncadd.s32 $0xFFFFFE00  }
.LBB2_6:
0x38: {  	s25 =	sadd.s32 $0xFFFFFFFF, s25  }
0x39: {  	p4 =	sne.s32 s25, $0x0  }
.Ltmp1:
0x3a: {  	_ = 	snop;
	(pc) =	sbr.rel @!p4 .LBB2_7-.Ltmp1, $1  }
0x3b: {  	_ =	sdelay $0x3  }
.LBB2_1:
0x3c: {  	s5 =	sld [smem:$0x7F7];
	_ =	sdelay $0x1  }
0x3d: {  	s6 =	simm.s32 $0x1A000;
	s26 =	simm.s32 $0x5  }
0x3e: {  	[tilespmem:s6], [sflag:$0x5] =	stream.linear.gather [hbm4b:s5+s15], $0x80, $0x38;
	[tilespmem:$0x1A080] =	vst v63  }
0x3f: {  	_ =	swait.ge [sflag:s26], $0x80  }
0x40: {  	[sflag:s26] =	ssyncset.done $0x0  }
0x41: {  	[sflag:s26] =	ssyncadd.s32 $0xFFFFFF80  }
0x42: {  	v0 =	vld [tilespmem:$0x1A000];
	_ =	sdelay $0x4  }
0x43: {  	v0 =	vxor.u32 $0x80000000, v0  }
0x44: {  	(xrf0) =	vmax.scan.msk.u32 $0xffff, v0;
	_ =	sdelay $0x5  }
0x45: {  	v0, _, _ =	vpop (xrf0)  }
0x46: {  	(v2sf) =	vpush v0, $0xF;
	_ =	sdelay $0xe  }
0x47: {  	s31 =	spop (v2sf)  }
0x48: {  	s19 =	sxor.u32 $0x80000000, s31  }
0x49: {  	s22 =	sshra.s32 s19, $0x1F  }
0x4a: {  	s22 =	sshrl.u32 s22, $0x1C  }
0x4b: {  	s23 =	simm.s32 @!p0 $0x0;
	s15 =	rddreg [dreg:$0x1d];
	s22 =	sadd.s32 s22, s19  }
0x4c: {  	s5 =	rddreg [dreg:$0x3];
	p4 =	seq.s32 @!p0 s2, s19;
	s22 =	sand.u32 $0xFFFFFFF0, s22  }
0x4d: {  	p4 =	por !p4, p0;
	s19 =	ssub.s32 s19, s22;
	s22 =	smov.u32 s5  }
0x4e: {  	s24 =	simm.s32 @!p0 $0x18000;
	s22 =	smov.u32 @p4 s15;
	p4 =	seq.s32 @!p2 s2, s19  }
0x4f: {  	[tilespmem:s24], [sflag:$0x3] =	stream.linear.gather @!p0 [hbm4b:s22+s23], $0x1000, $0x38;
	[tilespmem:$0x1A080] =	vst v63  }
0x50: {  	p4 =	por @!p0 !p4, p1  }
0x51: {  	s19 =	rddreg [dreg:$0x1e];
	p4 =	por !p4, p0  }
0x52: {  	s22 =	simm.s32 @!p2 $0x0;
	s23 =	simm.s32 @!p2 $0x19000;
	s19 =	smov.u32 @p4 s5  }
0x53: {  	[tilespmem:s23], [sflag:$0x4] =	stream.linear.gather @!p2 [hbm4b:s19+s22], $0x1000, $0x38;
	[tilespmem:$0x1A080] =	vst v63  }
0x54: {  	s22 =	sshll.u32 s31, $0x4  }
0x55: {  	p4 =	slt.s32 s30, s22;
	s23 =	sadd.s32 $0x10, s22  }
0x56: {  	p5 =	slt.s32 @!p4 s30, s23  }
0x57: {  	s24 =	sshll.u32 s0, $0x6;
	p5 =	por p4, !p5  }
0x58: {  	s31 =	sshrl.u32 s4, $0x3;
	s6 =	sor.u32 @p5 $0x1C01, s24;
	s5 =	rddreg @p5 [dreg:$0xb]  }
0x59: {  	[spmem:s31], [sflag:s6] =	dma.local @p5 [hbm:s5], $0x1000  }
0x5a: {  	p5 =	sge.s32 @!p4 s30, s23  }
0x5b: {  	p4 =	por p5, p4  }
0x5c: {  	s6 =	ssub.s32 @!p4 s30, s22  }
0x5d: {  	s6 =	sshll.u32 @!p4 s6, $0xC  }
0x5e: {  	s19 =	sshll.u32 @!p4 s0, $0x6;
	s6 =	sand.u32 @!p4 $0x1FFFC000, s6  }
0x5f: {  	s26 =	sshrl.u32 @!p4 s4, $0x3;
	s19 =	sor.u32 @!p4 $0x1C01, s19;
	s6 =	sadd.s32 @!p4 s21, s6  }
0x60: {  	[spmem:s26], [sflag:s19] =	dma.local @!p4 [hbm:s6], $0x1000  }
0x61: {  	p4 =	slt.s32 s7, s22  }
0x62: {  	p5 =	slt.s32 @!p4 s7, s23  }
0x63: {  	p5 =	por p4, !p5  }
0x64: {  	s5 =	sld @p5 [smem:$0x7F8];
	_ =	sdelay $0x1  }
0x65: {  	s26 =	sshrl.u32 s8, $0x3;
	s6 =	sor.u32 @p5 $0x1C01, s24  }
0x66: {  	[spmem:s26], [sflag:s6] =	dma.local @p5 [hbm:s5], $0x1000  }
0x67: {  	p5 =	sge.s32 @!p4 s7, s23  }
0x68: {  	p4 =	por p5, p4  }
0x69: {  	s6 =	ssub.s32 @!p4 s7, s22  }
0x6a: {  	s6 =	sshll.u32 @!p4 s6, $0xC  }
0x6b: {  	s19 =	sshll.u32 @!p4 s0, $0x6;
	s6 =	sand.u32 @!p4 $0x1FFFD000, s6  }
0x6c: {  	s16 =	sshrl.u32 @!p4 s8, $0x3;
	s19 =	sor.u32 @!p4 $0x1C01, s19;
	s6 =	sadd.s32 @!p4 s21, s6  }
0x6d: {  	[spmem:s16], [sflag:s19] =	dma.local @!p4 [hbm:s6], $0x1000  }
0x6e: {  	p4 =	slt.s32 s12, s22;
	_ =	swait.ge [sflag:s17], $0x1000  }
0x6f: {  	s6 =	sor.u32 $0x1C02, s24;
	p5 =	slt.s32 @!p4 s12, s23;
	[sflag:s17] =	ssyncset.done $0x0  }
0x70: {  	s15 =	rddreg [dreg:$0xc];
	p5 =	por p4, !p5;
	[sflag:s17] =	ssyncadd.s32 $0xFFFFF000  }
0x71: {  	[hbm:s15], [sflag:s6] =	dma.local [spmem:s31], $0x1000  }
0x72: {  	s5 =	sld @p5 [smem:$0x7F9];
	_ =	sdelay $0x1  }
0x73: {  	s19 =	sshrl.u32 s14, $0x3;
	s16 =	sor.u32 @p5 $0x1C01, s24  }
0x74: {  	[spmem:s19], [sflag:s16] =	dma.local @p5 [hbm:s5], $0x1000  }
0x75: {  	p5 =	sge.s32 @!p4 s12, s23  }
0x76: {  	p4 =	por p5, p4  }
0x77: {  	s16 =	ssub.s32 @!p4 s12, s22  }
0x78: {  	s16 =	sshll.u32 @!p4 s16, $0xC  }
0x79: {  	s5 =	sshll.u32 @!p4 s0, $0x6;
	s16 =	sand.u32 @!p4 $0x1FFFE000, s16  }
0x7a: {  	s15 =	sshrl.u32 @!p4 s14, $0x3;
	s5 =	sor.u32 @!p4 $0x1C01, s5;
	s16 =	sadd.s32 @!p4 s21, s16  }
0x7b: {  	[spmem:s15], [sflag:s5] =	dma.local @!p4 [hbm:s16], $0x1000  }
0x7c: {  	_ =	swait.ge [sflag:s17], $0x1000  }
0x7d: {  	s16 =	sld [smem:$0x7FA]  }
0x7e: {  	p4 =	slt.s32 s20, s22;
	[sflag:s17] =	ssyncset.done $0x0  }
0x7f: {  	p5 =	slt.s32 @!p4 s20, s23;
	[sflag:s17] =	ssyncadd.s32 $0xFFFFF000  }
0x80: {  	[hbm:s16], [sflag:s6] =	dma.local [spmem:s26], $0x1000  }
0x81: {  	p5 =	por p4, !p5;
	_ =	swait.ge [sflag:s18], $0x1000  }
0x82: {  	s15 =	sld @p5 [smem:$0x7FB]  }
0x83: {  	[sflag:s18] =	ssyncset.done $0x0  }
0x84: {  	s5 =	sor.u32 @p5 $0x1C01, s24;
	[sflag:s18] =	ssyncadd.s32 $0xFFFFF000  }
0x85: {  	[spmem:s31], [sflag:s5] =	dma.local @p5 [hbm:s15], $0x1000  }
0x86: {  	p5 =	sge.s32 @!p4 s20, s23  }
0x87: {  	p4 =	por p5, p4  }
0x88: {  	s5 =	ssub.s32 @!p4 s20, s22  }
0x89: {  	s5 =	sshll.u32 @!p4 s5, $0xC  }
0x8a: {  	s15 =	sshll.u32 @!p4 s0, $0x6;
	s5 =	sand.u32 @!p4 $0x1FFFF000, s5  }
0x8b: {  	s16 =	sshrl.u32 @!p4 s4, $0x3;
	s15 =	sor.u32 @!p4 $0x1C01, s15;
	s5 =	sadd.s32 @!p4 s21, s5  }
0x8c: {  	[spmem:s16], [sflag:s15] =	dma.local @!p4 [hbm:s5], $0x1000  }
0x8d: {  	_ =	swait.ge [sflag:s17], $0x1000  }
0x8e: {  	s15 =	sld [smem:$0x7FC]  }
0x8f: {  	[sflag:s17] =	ssyncset.done $0x0  }
0x90: {  	p4 =	slt.s32 s10, s22;
	[sflag:s17] =	ssyncadd.s32 $0xFFFFF000  }
0x91: {  	[hbm:s15], [sflag:s6] =	dma.local [spmem:s19], $0x1000  }
0x92: {  	p5 =	slt.s32 @!p4 s10, s23;
	_ =	swait.ge [sflag:s18], $0x1000  }
0x93: {  	p5 =	por p4, !p5;
	[sflag:s18] =	ssyncset.done $0x0  }
0x94: {  	s5 =	sor.u32 @p5 $0x1C01, s24;
	s15 =	rddreg @p5 [dreg:$0xd];
	[sflag:s18] =	ssyncadd.s32 $0xFFFFF000  }
0x95: {  	[spmem:s26], [sflag:s5] =	dma.local @p5 [hbm:s15], $0x1000  }
0x96: {  	p5 =	sge.s32 @!p4 s10, s23  }
0x97: {  	p4 =	por p5, p4  }
0x98: {  	s5 =	ssub.s32 @!p4 s10, s22  }
0x99: {  	s5 =	sshll.u32 @!p4 s5, $0xC  }
0x9a: {  	s15 =	sshll.u32 @!p4 s0, $0x6;
	s5 =	sand.u32 @!p4 $0x1FFFC000, s5  }
0x9b: {  	s16 =	sshrl.u32 @!p4 s8, $0x3;
	s15 =	sor.u32 @!p4 $0x1C01, s15;
	s5 =	sadd.s32 @!p4 s21, s5  }
0x9c: {  	[spmem:s16], [sflag:s15] =	dma.local @!p4 [hbm:s5], $0x1000  }
0x9d: {  	_ =	swait.ge [sflag:s17], $0x1000  }
0x9e: {  	s16 =	sld [smem:$0x7FD]  }
0x9f: {  	[sflag:s17] =	ssyncset.done $0x0  }
0xa0: {  	p4 =	slt.s32 s28, s22;
	[sflag:s17] =	ssyncadd.s32 $0xFFFFF000  }
0xa1: {  	[hbm:s16], [sflag:s6] =	dma.local [spmem:s31], $0x1000  }
0xa2: {  	p5 =	slt.s32 @!p4 s28, s23;
	_ =	swait.ge [sflag:s18], $0x1000  }
0xa3: {  	p5 =	por p4, !p5;
	[sflag:s18] =	ssyncset.done $0x0  }
0xa4: {  	s5 =	sor.u32 @p5 $0x1C01, s24;
	s15 =	rddreg @p5 [dreg:$0xe];
	[sflag:s18] =	ssyncadd.s32 $0xFFFFF000  }
0xa5: {  	[spmem:s19], [sflag:s5] =	dma.local @p5 [hbm:s15], $0x1000  }
0xa6: {  	p5 =	sge.s32 @!p4 s28, s23  }
0xa7: {  	p4 =	por p5, p4  }
0xa8: {  	s5 =	ssub.s32 @!p4 s28, s22  }
0xa9: {  	s5 =	sshll.u32 @!p4 s5, $0xC  }
0xaa: {  	s15 =	sshll.u32 @!p4 s0, $0x6;
	s5 =	sand.u32 @!p4 $0x1FFFD000, s5  }
0xab: {  	s16 =	sshrl.u32 @!p4 s14, $0x3;
	s15 =	sor.u32 @!p4 $0x1C01, s15;
	s5 =	sadd.s32 @!p4 s21, s5  }
0xac: {  	[spmem:s16], [sflag:s15] =	dma.local @!p4 [hbm:s5], $0x1000  }
0xad: {  	_ =	swait.ge [sflag:s17], $0x1000  }
0xae: {  	[sflag:s17] =	ssyncset.done $0x0  }
0xaf: {  	p4 =	slt.s32 s29, s22;
	s15 =	rddreg [dreg:$0xf];
	[sflag:s17] =	ssyncadd.s32 $0xFFFFF000  }
0xb0: {  	[hbm:s15], [sflag:s6] =	dma.local [spmem:s26], $0x1000  }
0xb1: {  	p5 =	slt.s32 @!p4 s29, s23;
	_ =	swait.ge [sflag:s18], $0x1000  }
0xb2: {  	p5 =	por p4, !p5;
	[sflag:s18] =	ssyncset.done $0x0  }
0xb3: {  	s5 =	sor.u32 @p5 $0x1C01, s24;
	s15 =	rddreg @p5 [dreg:$0x10];
	[sflag:s18] =	ssyncadd.s32 $0xFFFFF000  }
0xb4: {  	[spmem:s31], [sflag:s5] =	dma.local @p5 [hbm:s15], $0x1000  }
0xb5: {  	p5 =	sge.s32 @!p4 s29, s23  }
0xb6: {  	p4 =	por p5, p4  }
0xb7: {  	s5 =	ssub.s32 @!p4 s29, s22  }
0xb8: {  	s5 =	sshll.u32 @!p4 s5, $0xC  }
0xb9: {  	s15 =	sshll.u32 @!p4 s0, $0x6;
	s5 =	sand.u32 @!p4 $0x1FFFE000, s5  }
0xba: {  	s16 =	sshrl.u32 @!p4 s4, $0x3;
	s15 =	sor.u32 @!p4 $0x1C01, s15;
	s5 =	sadd.s32 @!p4 s21, s5  }
0xbb: {  	[spmem:s16], [sflag:s15] =	dma.local @!p4 [hbm:s5], $0x1000  }
0xbc: {  	_ =	swait.ge [sflag:s17], $0x1000  }
0xbd: {  	[sflag:s17] =	ssyncset.done $0x0  }
0xbe: {  	p4 =	slt.s32 s1, s22;
	s16 =	rddreg [dreg:$0x11];
	[sflag:s17] =	ssyncadd.s32 $0xFFFFF000  }
0xbf: {  	[hbm:s16], [sflag:s6] =	dma.local [spmem:s19], $0x1000  }
0xc0: {  	p5 =	slt.s32 @!p4 s1, s23;
	_ =	swait.ge [sflag:s18], $0x1000  }
0xc1: {  	p5 =	por p4, !p5;
	[sflag:s18] =	ssyncset.done $0x0  }
0xc2: {  	s5 =	sor.u32 @p5 $0x1C01, s24;
	s15 =	rddreg @p5 [dreg:$0x12];
	[sflag:s18] =	ssyncadd.s32 $0xFFFFF000  }
0xc3: {  	[spmem:s26], [sflag:s5] =	dma.local @p5 [hbm:s15], $0x1000  }
0xc4: {  	p5 =	sge.s32 @!p4 s1, s23  }
0xc5: {  	p4 =	por p5, p4  }
0xc6: {  	s5 =	ssub.s32 @!p4 s1, s22  }
0xc7: {  	s5 =	sshll.u32 @!p4 s5, $0xC  }
0xc8: {  	s15 =	sshll.u32 @!p4 s0, $0x6;
	s5 =	sand.u32 @!p4 $0x1FFFF000, s5  }
0xc9: {  	s16 =	sshrl.u32 @!p4 s8, $0x3;
	s15 =	sor.u32 @!p4 $0x1C01, s15;
	s5 =	sadd.s32 @!p4 s21, s5  }
0xca: {  	[spmem:s16], [sflag:s15] =	dma.local @!p4 [hbm:s5], $0x1000  }
0xcb: {  	_ =	swait.ge [sflag:s17], $0x1000  }
0xcc: {  	[sflag:s17] =	ssyncset.done $0x0  }
0xcd: {  	p4 =	slt.s32 s3, s22;
	s15 =	rddreg [dreg:$0x13];
	[sflag:s17] =	ssyncadd.s32 $0xFFFFF000  }
0xce: {  	[hbm:s15], [sflag:s6] =	dma.local [spmem:s31], $0x1000  }
0xcf: {  	p5 =	slt.s32 @!p4 s3, s23;
	_ =	swait.ge [sflag:s18], $0x1000  }
0xd0: {  	p5 =	por p4, !p5;
	[sflag:s18] =	ssyncset.done $0x0  }
0xd1: {  	s5 =	sor.u32 @p5 $0x1C01, s24;
	s15 =	rddreg @p5 [dreg:$0x14];
	[sflag:s18] =	ssyncadd.s32 $0xFFFFF000  }
0xd2: {  	[spmem:s19], [sflag:s5] =	dma.local @p5 [hbm:s15], $0x1000  }
0xd3: {  	p5 =	sge.s32 @!p4 s3, s23  }
0xd4: {  	p4 =	por p5, p4  }
0xd5: {  	s5 =	ssub.s32 @!p4 s3, s22  }
0xd6: {  	s5 =	sshll.u32 @!p4 s5, $0xC  }
0xd7: {  	s15 =	sshll.u32 @!p4 s0, $0x6;
	s5 =	sand.u32 @!p4 $0x1FFFC000, s5  }
0xd8: {  	s16 =	sshrl.u32 @!p4 s14, $0x3;
	s15 =	sor.u32 @!p4 $0x1C01, s15;
	s5 =	sadd.s32 @!p4 s21, s5  }
0xd9: {  	[spmem:s16], [sflag:s15] =	dma.local @!p4 [hbm:s5], $0x1000  }
0xda: {  	_ =	swait.ge [sflag:s17], $0x1000  }
0xdb: {  	[sflag:s17] =	ssyncset.done $0x0  }
0xdc: {  	p4 =	slt.s32 s9, s22;
	s16 =	rddreg [dreg:$0x15];
	[sflag:s17] =	ssyncadd.s32 $0xFFFFF000  }
0xdd: {  	[hbm:s16], [sflag:s6] =	dma.local [spmem:s26], $0x1000  }
0xde: {  	p5 =	slt.s32 @!p4 s9, s23;
	_ =	swait.ge [sflag:s18], $0x1000  }
0xdf: {  	p5 =	por p4, !p5;
	[sflag:s18] =	ssyncset.done $0x0  }
0xe0: {  	s5 =	sor.u32 @p5 $0x1C01, s24;
	s15 =	rddreg @p5 [dreg:$0x16];
	[sflag:s18] =	ssyncadd.s32 $0xFFFFF000  }
0xe1: {  	[spmem:s31], [sflag:s5] =	dma.local @p5 [hbm:s15], $0x1000  }
0xe2: {  	p5 =	sge.s32 @!p4 s9, s23  }
0xe3: {  	p4 =	por p5, p4  }
0xe4: {  	s5 =	ssub.s32 @!p4 s9, s22  }
0xe5: {  	s5 =	sshll.u32 @!p4 s5, $0xC  }
0xe6: {  	s15 =	sshll.u32 @!p4 s0, $0x6;
	s5 =	sand.u32 @!p4 $0x1FFFD000, s5  }
0xe7: {  	s16 =	sshrl.u32 @!p4 s4, $0x3;
	s15 =	sor.u32 @!p4 $0x1C01, s15;
	s5 =	sadd.s32 @!p4 s21, s5  }
0xe8: {  	[spmem:s16], [sflag:s15] =	dma.local @!p4 [hbm:s5], $0x1000  }
0xe9: {  	_ =	swait.ge [sflag:s17], $0x1000  }
0xea: {  	[sflag:s17] =	ssyncset.done $0x0  }
0xeb: {  	p4 =	slt.s32 s11, s22;
	s15 =	rddreg [dreg:$0x17];
	[sflag:s17] =	ssyncadd.s32 $0xFFFFF000  }
0xec: {  	[hbm:s15], [sflag:s6] =	dma.local [spmem:s19], $0x1000  }
0xed: {  	p5 =	slt.s32 @!p4 s11, s23;
	_ =	swait.ge [sflag:s18], $0x1000  }
0xee: {  	p5 =	por p4, !p5;
	[sflag:s18] =	ssyncset.done $0x0  }
0xef: {  	s5 =	sor.u32 @p5 $0x1C01, s24;
	s15 =	rddreg @p5 [dreg:$0x19];
	[sflag:s18] =	ssyncadd.s32 $0xFFFFF000  }
0xf0: {  	[spmem:s26], [sflag:s5] =	dma.local @p5 [hbm:s15], $0x1000  }
0xf1: {  	p5 =	sge.s32 @!p4 s11, s23  }
0xf2: {  	p4 =	por p5, p4  }
0xf3: {  	s5 =	ssub.s32 @!p4 s11, s22  }
0xf4: {  	s5 =	sshll.u32 @!p4 s5, $0xC  }
0xf5: {  	s15 =	sshll.u32 @!p4 s0, $0x6;
	s5 =	sand.u32 @!p4 $0x1FFFE000, s5  }
0xf6: {  	s16 =	sshrl.u32 @!p4 s8, $0x3;
	s15 =	sor.u32 @!p4 $0x1C01, s15;
	s5 =	sadd.s32 @!p4 s21, s5  }
0xf7: {  	[spmem:s16], [sflag:s15] =	dma.local @!p4 [hbm:s5], $0x1000  }
0xf8: {  	_ =	swait.ge [sflag:s17], $0x1000  }
0xf9: {  	[sflag:s17] =	ssyncset.done $0x0  }
0xfa: {  	p4 =	slt.s32 s13, s22;
	s16 =	rddreg [dreg:$0x18];
	[sflag:s17] =	ssyncadd.s32 $0xFFFFF000  }
0xfb: {  	[hbm:s16], [sflag:s6] =	dma.local [spmem:s31], $0x1000  }
0xfc: {  	p5 =	slt.s32 @!p4 s13, s23;
	_ =	swait.ge [sflag:s18], $0x1000  }
0xfd: {  	p5 =	por p4, !p5;
	[sflag:s18] =	ssyncset.done $0x0  }
0xfe: {  	s5 =	sor.u32 @p5 $0x1C01, s24;
	s15 =	rddreg @p5 [dreg:$0x1a];
	[sflag:s18] =	ssyncadd.s32 $0xFFFFF000  }
0xff: {  	[spmem:s19], [sflag:s5] =	dma.local @p5 [hbm:s15], $0x1000  }
0x100: {  	p5 =	sge.s32 @!p4 s13, s23  }
0x101: {  	p4 =	por p5, p4  }
0x102: {  	s5 =	ssub.s32 @!p4 s13, s22  }
0x103: {  	s5 =	sshll.u32 @!p4 s5, $0xC  }
0x104: {  	s15 =	sshll.u32 @!p4 s0, $0x6;
	s5 =	sand.u32 @!p4 $0x1FFFF000, s5  }
0x105: {  	s16 =	sshrl.u32 @!p4 s14, $0x3;
	s15 =	sor.u32 @!p4 $0x1C01, s15;
	s5 =	sadd.s32 @!p4 s21, s5  }
0x106: {  	[spmem:s16], [sflag:s15] =	dma.local @!p4 [hbm:s5], $0x1000  }
0x107: {  	_ =	swait.ge [sflag:s17], $0x1000  }
0x108: {  	[sflag:s17] =	ssyncset.done $0x0  }
0x109: {  	s24 =	rddreg [dreg:$0x1b];
	[sflag:s17] =	ssyncadd.s32 $0xFFFFF000  }
0x10a: {  	[hbm:s24], [sflag:s6] =	dma.local [spmem:s26], $0x1000  }
0x10b: {  	_ =	swait.ge [sflag:s18], $0x1000  }
0x10c: {  	[sflag:s18] =	ssyncset.done $0x0  }
0x10d: {  	[sflag:s18] =	ssyncadd.s32 $0xFFFFF000  }
0x10e: {  	_ =	swait.ge [sflag:s17], $0x1000  }
0x10f: {  	[sflag:s17] =	ssyncset.done $0x0  }
0x110: {  	s31 =	rddreg [dreg:$0x1c];
	[sflag:s17] =	ssyncadd.s32 $0xFFFFF000  }
0x111: {  	[hbm:s31], [sflag:s6] =	dma.local [spmem:s19], $0x1000  }
0x112: {  	_ =	swait.ge [sflag:s18], $0x1000  }
.Ltmp2:
0x113: {  	[sflag:s18] =	ssyncset.done $0x0;
	(pc) =	sbr.rel @p0 .LBB2_3-.Ltmp2, $4  }
0x114: {  	[sflag:s18] =	ssyncadd.s32 $0xFFFFF000  }
0x115: {  	p5 =	por @!p2 $0x1, $0x1;
	p4 =	por @!p0 $0x0, $0x0;
	_ =	swait.ge [sflag:s18], $0x1000  }
0x116: {  	p5 =	por @!p3 p4, p4;
	p4 =	por $0x0, $0x0;
	[sflag:s18] =	ssyncset.done $0x0  }
0x117: {  	p4 =	por @!p0 p5, p5;
	[sflag:s18] =	ssyncadd.s32 $0xFFFFF000  }
.Ltmp3:
0x118: {  	s6 =	simm.s32 $0x3;
	(pc) =	sbr.rel @p4 .LBB2_4-.Ltmp3, $4  }
.Ltmp4:
0x119: {  	_ =	swait.ge [sflag:s6], $0x1000;
	(pc) =	sbr.rel @!p4 .LBB2_5-.Ltmp4, $4  }
0x11a: {  	s15 =	simm.s32 $0x0;
	[sflag:s6] =	ssyncset.done $0x0  }
0x11b: {  	s16 =	simm.s32 $0x18000;
	s5 =	rddreg [dreg:$0x1f];
	[sflag:s6] =	ssyncadd.s32 $0xFFFFF000  }
0x11c: {  	[hbm4b:s5+s15] =	stream.linear.scatter [tilespmem:s16], [sflag:$0x3], $0x1000, $0x38;
	[tilespmem:$0x1A080] =	vst v63  }
0x11d: {  	_ = 	snop  }
.LBB2_3:
.Ltmp5:
0x11e: {  	(pc) =	sbr.rel @!p4 .LBB2_6-.Ltmp5, $4  }
.Ltmp6:
0x11f: {  	(pc) =	sbr.rel @p4 .LBB2_4-.Ltmp6, $4  }
0x120: {  	_ = 	snop  }
0x121: {  	_ = 	snop  }
0x122: {  	s15 =	simm.s32 $0x0  }
0x123: {  	_ = 	snop  }
.LBB2_7:
0x124: {  	_ =	sfence.sel $0x180000  }
0x125: {  	[bflag:$0x0] =	sbarrier.arrive $0xFFFF  }
0x126: {  	_ =	strace $0x90000047  }
0x127: {  	[bflag:$0x2] =	sbarrier.arrive $0xFFFF  }
0x128: {  	p0 =	sne.s32 s0, $0x0;
	s0 =	rddreg [dreg:$0xa]  }
0x129: {  	s0 =	sadd.s32 @!p0 $0x100000, s0  }
0x12a: {  	[sflag:s0] =	ssyncadd.tile.s32 @!p0 $0x1;
	_ =	shalt  }
.Lfunc_end2:
_tile_overlayer_lowered:
.L_overlay_start_2:
0x12b: {  	(tag) =	ssettag $0x2  }
0x12c: {  	s0 =	rddreg [dreg:$0x0];
	s2 =	stileid.u32  }
0x12d: {  	s1 =	rddreg [dreg:$0x1];
	p0 =	sne.s32 s2, $0x0  }
0x12e: {  	s3 =	rddreg [dreg:$0x2];
	[bflag:$0x3] =	sbarrier.arrive $0xFFFF;
	s2 =	simm.s32 @!p0 $0x1C05  }
0x12f: {  	[timem:s3], [sflag:s2] =	dma.local @!p0 [hbm:s0], s1  }
0x130: {  	s0 =	simm.s32 @!p0 $0x5  }
0x131: {  	_ =	swait.ge @!p0 [sflag:s0], s1  }
0x132: {  	s1 =	ssub.s32 @!p0 $0x0, s1;
	[sflag:s0] =	ssyncset.done @!p0 $0x0  }
0x133: {  	[sflag:s0] =	ssyncadd.s32 @!p0 s1  }
0x134: {  	[bflag:$0x3] =	sbarrier.arrive $0xFFFF  }
0x135: {  	_ =	shalt  }

</sc_bundles>
